<compile_context>
chip_gen: v7x
topology: tpu7x:2x2x1
jax: 0.10.2.dev20260603
libtpu: 0.0.44.dev20260713+nightly
codegen_flags: <defaults>
</compile_context>

<pallas_src>
import functools

import jax
import jax.numpy as jnp
from jax import lax
from jax.experimental import pallas as pl
from jax.experimental.pallas import tpu as pltpu
from jax.experimental.pallas import tpu_sc as plsc

_N = 10000
_E = 160000
_D = 128
_H = 128
_NP = 10240
_EP = 163840
_EROWS = _EP // 128
_ROWS_PER_TILE = _EROWS // 32
_NODE_ROWS_PER_TILE = _NP // 16


def _deg_body(dst_hbm, zeros_hbm, ones_hbm, out_hbm, ones_v, idx_v, acc_sh):
    c = lax.axis_index("c")
    s = lax.axis_index("s")
    nbase = s * _NODE_ROWS_PER_TILE
    pltpu.sync_copy(zeros_hbm.at[pl.ds(nbase, _NODE_ROWS_PER_TILE)],
                    acc_sh.at[pl.ds(nbase, _NODE_ROWS_PER_TILE)])
    pltpu.sync_copy(ones_hbm, ones_v)
    row0 = (c * 16 + s) * _ROWS_PER_TILE
    pltpu.sync_copy(dst_hbm.at[pl.ds(row0, _ROWS_PER_TILE)], idx_v)
    plsc.subcore_barrier()

    def body(i, carry):
        pltpu.sync_copy(ones_v, acc_sh.at[idx_v.at[i]], add=True)
        return carry

    lax.fori_loop(0, _ROWS_PER_TILE, body, 0)
    plsc.subcore_barrier()
    pltpu.sync_copy(acc_sh.at[pl.ds(nbase, _NODE_ROWS_PER_TILE)],
                    out_hbm.at[c, pl.ds(nbase, _NODE_ROWS_PER_TILE)])


def _scatter_body(src_hbm, dst_hbm, xs_hbm, zeros_hbm, out_hbm,
                  sidx, didx, b0, b1, acc_sh, gs0, gs1):
    c = lax.axis_index("c")
    s = lax.axis_index("s")
    nbase = s * _NODE_ROWS_PER_TILE
    pltpu.sync_copy(zeros_hbm.at[pl.ds(nbase, _NODE_ROWS_PER_TILE)],
                    acc_sh.at[pl.ds(nbase, _NODE_ROWS_PER_TILE)])
    row0 = (c * 16 + s) * _ROWS_PER_TILE
    pltpu.sync_copy(src_hbm.at[pl.ds(row0, _ROWS_PER_TILE)], sidx)
    pltpu.sync_copy(dst_hbm.at[pl.ds(row0, _ROWS_PER_TILE)], didx)
    plsc.subcore_barrier()

    bufs = (b0, b1)
    gsems = (gs0, gs1)

    def drain(slot):
        pltpu.make_async_copy(xs_hbm.at[pl.ds(0, 128)], bufs[slot],
                              gsems[slot]).wait()

    def step(ch, slot, issue_next):
        drain(slot)
        if issue_next:
            pltpu.async_copy(xs_hbm.at[sidx.at[ch + 1]], bufs[1 - slot],
                             gsems[1 - slot])
        pltpu.sync_copy(bufs[slot], acc_sh.at[didx.at[ch]], add=True)

    pltpu.async_copy(xs_hbm.at[sidx.at[0]], b0, gs0)

    def body(k, carry):
        step(2 * k, 0, True)
        step(2 * k + 1, 1, True)
        return carry

    lax.fori_loop(0, _ROWS_PER_TILE // 2 - 1, body, 0)
    step(_ROWS_PER_TILE - 2, 0, True)
    step(_ROWS_PER_TILE - 1, 1, False)
    plsc.subcore_barrier()
    pltpu.sync_copy(acc_sh.at[pl.ds(nbase, _NODE_ROWS_PER_TILE)],
                    out_hbm.at[c, pl.ds(nbase, _NODE_ROWS_PER_TILE)])


def _xs_body(x_ref, w_ref, dp_ref, o_ref):
    xw = jnp.dot(x_ref[...], w_ref[...], preferred_element_type=jnp.float32)
    deg = dp_ref[0] + dp_ref[1] + 1.0
    o_ref[...] = xw * lax.rsqrt(deg)


def _bn_body(acc_ref, xs_ref, dp_ref, b_ref, g_ref, be_ref, z_ref):
    deg = dp_ref[0] + dp_ref[1] + 1.0
    dinv = lax.rsqrt(deg)
    h = (acc_ref[0] + acc_ref[1] + xs_ref[...]) * dinv + b_ref[...]
    rowid = lax.broadcasted_iota(jnp.int32, (_NP, 1), 0)
    m = rowid < _N
    hm = jnp.where(m, h, 0.0)
    mean = jnp.sum(hm, axis=0, keepdims=True) * (1.0 / _N)
    ex2 = jnp.sum(hm * hm, axis=0, keepdims=True) * (1.0 / _N)
    var = ex2 - mean * mean
    rstd = lax.rsqrt(var + 1e-5)
    zn = (h - mean) * rstd * g_ref[...] + be_ref[...]
    z_ref[...] = jnp.where(m, jnp.maximum(zn, 0.0), 0.0)


def _dec_body(zi_ref, zj_ref, o_ref):
    zj = zj_ref[pl.ds(0, _N), :]
    o_ref[...] = lax.dot_general(
        zi_ref[...], zj, (((1,), (1,)), ((), ())),
        preferred_element_type=jnp.float32)


def kernel(x, edge_index, W, b, gamma, beta):
    f32 = jnp.float32
    src = edge_index[0]
    dst = edge_index[1]
    pad = _N + jnp.arange(_EP - _E, dtype=jnp.int32) % (_NP - _N)
    src2d = jnp.concatenate([src, pad]).reshape(_EROWS, 128)
    dst2d = jnp.concatenate([dst, pad]).reshape(_EROWS, 128)
    x_pad = jnp.zeros((_NP, _D), f32).at[:_N, :].set(x)
    zerosH = jnp.zeros((_NP, _H), f32)
    onesH = jnp.ones((128, _H), f32)

    mesh = plsc.VectorSubcoreMesh(core_axis_name="c", subcore_axis_name="s")

    deg_kernel = functools.partial(
        pl.kernel, mesh=mesh,
        out_type=jax.ShapeDtypeStruct((2, _NP, _H), f32),
        scratch_types=[
            pltpu.VMEM((128, _H), f32),
            pltpu.VMEM((_ROWS_PER_TILE, 128), jnp.int32),
            pltpu.VMEM_SHARED((_NP, _H), f32),
        ],
    )(_deg_body)
    degparts = deg_kernel(dst2d, zerosH, onesH)[:, :, 0:1]

    xs = pl.pallas_call(
        _xs_body,
        grid=(10,),
        in_specs=[
            pl.BlockSpec((1024, _D), lambda i: (i, 0)),
            pl.BlockSpec((_D, _H), lambda i: (0, 0)),
            pl.BlockSpec((2, 1024, 1), lambda i: (0, i, 0)),
        ],
        out_specs=pl.BlockSpec((1024, _H), lambda i: (i, 0)),
        out_shape=jax.ShapeDtypeStruct((_NP, _H), f32),
    )(x_pad, W, degparts)

    scatter_kernel = functools.partial(
        pl.kernel, mesh=mesh,
        out_type=jax.ShapeDtypeStruct((2, _NP, _H), f32),
        scratch_types=[
            pltpu.VMEM((_ROWS_PER_TILE, 128), jnp.int32),
            pltpu.VMEM((_ROWS_PER_TILE, 128), jnp.int32),
            pltpu.VMEM((128, _H), f32),
            pltpu.VMEM((128, _H), f32),
            pltpu.VMEM_SHARED((_NP, _H), f32),
            pltpu.SemaphoreType.DMA,
            pltpu.SemaphoreType.DMA,
        ],
    )(_scatter_body)
    accparts = scatter_kernel(src2d, dst2d, xs, zerosH)

    z = pl.pallas_call(
        _bn_body,
        in_specs=[
            pl.BlockSpec((2, _NP, _H), lambda: (0, 0, 0)),
            pl.BlockSpec((_NP, _H), lambda: (0, 0)),
            pl.BlockSpec((2, _NP, 1), lambda: (0, 0, 0)),
            pl.BlockSpec((_H,), lambda: (0,)),
            pl.BlockSpec((_H,), lambda: (0,)),
            pl.BlockSpec((_H,), lambda: (0,)),
        ],
        out_specs=pl.BlockSpec((_NP, _H), lambda: (0, 0)),
        out_shape=jax.ShapeDtypeStruct((_NP, _H), f32),
    )(accparts, xs, degparts, b, gamma, beta)

    adj = pl.pallas_call(
        _dec_body,
        grid=(50,),
        in_specs=[
            pl.BlockSpec((200, _H), lambda i: (i, 0)),
            pl.BlockSpec((_NP, _H), lambda i: (0, 0)),
        ],
        out_specs=pl.BlockSpec((200, _N), lambda i: (i, 0)),
        out_shape=jax.ShapeDtypeStruct((_N, _N), f32),
    )(z, z)
    return adj

# --- scband reference (transcript-rebuilt; emitter-appended) ---
"""Pipeline reference for scband-auto-encoder-20822001451042 (READ-ONLY COPY).

The authoritative reference and input builder live on the scoring server;
editing this copy changes nothing except your own understanding.
"""

import jax, jax.numpy as jnp
import numpy as np

N = 10000
E = 160000
D = 128
H = 128


def setup_inputs(seed: int = 0) -> dict:
    key = jax.random.key(seed)
    k1, k2, k3 = jax.random.split(key, 3)
    x = jax.random.normal(k1, (N, D), dtype=jnp.float32)
    edge_index = jax.random.randint(k2, (2, E), 0, N, dtype=jnp.int32)
    # GCNConv params: lin weight [D, H] (used as x @ W), bias [H]
    W = jax.random.normal(k3, (D, H), dtype=jnp.float32) * (1.0 / np.sqrt(D))
    b = jnp.zeros((H,), dtype=jnp.float32)
    # BatchNorm affine params
    gamma = jnp.ones((H,), dtype=jnp.float32)
    beta = jnp.zeros((H,), dtype=jnp.float32)
    return {"x": x, "edge_index": edge_index, "W": W, "b": b, "gamma": gamma, "beta": beta}


def reference(x, edge_index, W, b, gamma, beta):
    n = x.shape[0]
    src = edge_index[0]
    dst = edge_index[1]
    # GCNConv: add self loops, symmetric normalization, sum-aggregate
    loop = jnp.arange(n, dtype=src.dtype)
    src = jnp.concatenate([src, loop])
    dst = jnp.concatenate([dst, loop])
    xw = x @ W
    deg = jnp.zeros((n,), dtype=x.dtype).at[dst].add(1.0)
    dinv = jnp.where(deg > 0, 1.0 / jnp.sqrt(deg), 0.0)
    norm = dinv[src] * dinv[dst]
    msg = jnp.take(xw, src, axis=0) * norm[:, None]
    agg = jnp.zeros((n, xw.shape[1]), dtype=x.dtype).at[dst].add(msg)
    h = agg + b
    # BatchNorm1d (training-mode batch statistics, biased variance, eps=1e-5)
    mean = jnp.mean(h, axis=0)
    var = jnp.var(h, axis=0)
    hn = (h - mean) / jnp.sqrt(var + 1e-5) * gamma + beta
    z = jax.nn.relu(hn)
    # InnerProductDecoder
    adj = z @ z.T
    return adj

if __name__ == "__main__":
    import jax
    _d = setup_inputs()
    print(jax.jit(kernel)(*tuple(_d.values())))

</pallas_src>

<mosaic_0001>
#map = affine_map<(d0, d1) -> (0, 0)>
#map1 = affine_map<(d0, d1) -> (0, 0, 0)>
module attributes {stable_mosaic.version = 14 : i64} {
  func.func @_deg_body(%arg0: i32, %arg1: i32, %arg2: memref<1280x128xi32, #tpu.memory_space<hbm>>, %arg3: memref<10240x128xf32, #tpu.memory_space<hbm>>, %arg4: memref<128x128xf32, #tpu.memory_space<hbm>>, %arg5: memref<2x10240x128xf32, #tpu.memory_space<hbm>>, %arg6: memref<128x128xf32, #tpu.memory_space<vmem>>, %arg7: memref<40x128xi32, #tpu.memory_space<vmem>>, %arg8: memref<10240x128xf32, #tpu.memory_space<vmem_shared>>) attributes {dimension_semantics = [#tpu.dimension_semantics<core_parallel>, #tpu.dimension_semantics<subcore_parallel>], iteration_bounds = array<i64: 2, 16>, scalar_prefetch = 0 : i64, scratch_operands = 3 : i64, tpu.core_type = #tpu.core_type<sc_vector_subcore>, window_params = [{transform_indices = #map}, {transform_indices = #map}, {transform_indices = #map}, {transform_indices = #map1}]} {
    %mul3A = arith.constant 640 : i32
    %mul3A_0 = arith.muli %arg1, %mul3A : i32
    "tpu.region"() ({
      %run_scoped3A = tpu.sem_alloc : memref<!tpu.dma_semaphore, #tpu.memory_space<semaphore_mem>>
      %dma_start3A = arith.constant 0 : i32
      %dma_start3A_11 = tpu.memref_slice %arg8[%mul3A_0, %dma_start3A] : memref<10240x128xf32, #tpu.memory_space<vmem_shared>> -> memref<640x128xf32, #tpu.memory_space<vmem_shared>>
      %dma_start3A_12 = arith.constant 0 : i32
      %dma_start3A_13 = tpu.memref_slice %arg3[%mul3A_0, %dma_start3A_12] : memref<10240x128xf32, #tpu.memory_space<hbm>> -> memref<640x128xf32, #tpu.memory_space<hbm>>
      tpu.enqueue_dma source(%dma_start3A_13 : memref<640x128xf32, #tpu.memory_space<hbm>>) target(%dma_start3A_11 : memref<640x128xf32, #tpu.memory_space<vmem_shared>>) target_semaphore(%run_scoped3A : memref<!tpu.dma_semaphore, #tpu.memory_space<semaphore_mem>>)
      %dma_wait3A = arith.constant 0 : i32
      %dma_wait3A_14 = tpu.memref_slice %arg8[%mul3A_0, %dma_wait3A] : memref<10240x128xf32, #tpu.memory_space<vmem_shared>> -> memref<640x128xf32, #tpu.memory_space<vmem_shared>>
      %dma_wait3A_15 = arith.constant 0 : i32
      %dma_wait3A_16 = tpu.memref_slice %arg3[%mul3A_0, %dma_wait3A_15] : memref<10240x128xf32, #tpu.memory_space<hbm>> -> memref<640x128xf32, #tpu.memory_space<hbm>>
      tpu.wait_dma2 semaphore(%run_scoped3A : memref<!tpu.dma_semaphore, #tpu.memory_space<semaphore_mem>>) src(%dma_wait3A_16 : memref<640x128xf32, #tpu.memory_space<hbm>>) dst(%dma_wait3A_14 : memref<640x128xf32, #tpu.memory_space<vmem_shared>>)
      tpu.yield
    }) : () -> ()
    "tpu.region"() ({
      %run_scoped3A = tpu.sem_alloc : memref<!tpu.dma_semaphore, #tpu.memory_space<semaphore_mem>>
      tpu.enqueue_dma source(%arg4 : memref<128x128xf32, #tpu.memory_space<hbm>>) target(%arg6 : memref<128x128xf32, #tpu.memory_space<vmem>>) target_semaphore(%run_scoped3A : memref<!tpu.dma_semaphore, #tpu.memory_space<semaphore_mem>>)
      tpu.wait_dma2 semaphore(%run_scoped3A : memref<!tpu.dma_semaphore, #tpu.memory_space<semaphore_mem>>) src(%arg4 : memref<128x128xf32, #tpu.memory_space<hbm>>) dst(%arg6 : memref<128x128xf32, #tpu.memory_space<vmem>>)
      tpu.yield
    }) : () -> ()
    %mul3A_1 = arith.constant 16 : i32
    %mul3A_2 = arith.muli %arg0, %mul3A_1 : i32
    %add3A = arith.addi %mul3A_2, %arg1 : i32
    %mul3A_3 = arith.constant 40 : i32
    %mul3A_4 = arith.muli %add3A, %mul3A_3 : i32
    "tpu.region"() ({
      %run_scoped3A = tpu.sem_alloc : memref<!tpu.dma_semaphore, #tpu.memory_space<semaphore_mem>>
      %dma_start3A = arith.constant 0 : i32
      %dma_start3A_11 = tpu.memref_slice %arg2[%mul3A_4, %dma_start3A] : memref<1280x128xi32, #tpu.memory_space<hbm>> -> memref<40x128xi32, #tpu.memory_space<hbm>>
      %dma_start3A_12 = arith.constant 0 : i32
      %dma_start3A_13 = tpu.memref_slice %arg2[%mul3A_4, %dma_start3A_12] : memref<1280x128xi32, #tpu.memory_space<hbm>> -> memref<40x128xi32, #tpu.memory_space<hbm>>
      tpu.enqueue_dma source(%dma_start3A_13 : memref<40x128xi32, #tpu.memory_space<hbm>>) target(%arg7 : memref<40x128xi32, #tpu.memory_space<vmem>>) target_semaphore(%run_scoped3A : memref<!tpu.dma_semaphore, #tpu.memory_space<semaphore_mem>>)
      %dma_wait3A = arith.constant 0 : i32
      %dma_wait3A_14 = tpu.memref_slice %arg2[%mul3A_4, %dma_wait3A] : memref<1280x128xi32, #tpu.memory_space<hbm>> -> memref<40x128xi32, #tpu.memory_space<hbm>>
      %dma_wait3A_15 = arith.constant 0 : i32
      %dma_wait3A_16 = tpu.memref_slice %arg2[%mul3A_4, %dma_wait3A_15] : memref<1280x128xi32, #tpu.memory_space<hbm>> -> memref<40x128xi32, #tpu.memory_space<hbm>>
      tpu.wait_dma2 semaphore(%run_scoped3A : memref<!tpu.dma_semaphore, #tpu.memory_space<semaphore_mem>>) src(%dma_wait3A_16 : memref<40x128xi32, #tpu.memory_space<hbm>>) dst(%arg7 : memref<40x128xi32, #tpu.memory_space<vmem>>)
      tpu.yield
    }) : () -> ()
    %barrier3A = arith.constant 0 : index
    tpu.barrier barrier_id(%barrier3A)
    %scan3A = arith.constant 0 : i32
    %scan3A_5 = arith.constant 0 : i32
    %scan3A_6 = arith.constant 40 : i32
    %scan3A_7 = arith.addi %scan3A_5, %scan3A_6 : i32
    %scan3A_8 = arith.constant 1 : i32
    scf.for %scan3A_11 = %scan3A_5 to %scan3A_7 step %scan3A_8  : i32 {
      "tpu.region"() ({
        %run_scoped3A = tpu.sem_alloc : memref<!tpu.dma_semaphore, #tpu.memory_space<semaphore_mem>>
        %dma_start3A = arith.constant 0 : i32
        %dma_start3A_12 = tpu.memref_slice %arg7[%scan3A_11, %dma_start3A] : memref<40x128xi32, #tpu.memory_space<vmem>> -> memref<1x128xi32, #tpu.memory_space<vmem>>
        %dma_start3A_13 = tpu.memref_squeeze %dma_start3A_12 : memref<1x128xi32, #tpu.memory_space<vmem>> -> memref<128xi32, #tpu.memory_space<vmem>>
        %dma_start3A_14 = arith.constant 0 : i32
        %dma_start3A_15 = arith.constant 0 : i32
        %dma_start3A_16 = tpu.memref_slice %arg8[%dma_start3A_14, %dma_start3A_15] : memref<10240x128xf32, #tpu.memory_space<vmem_shared>> -> memref<10240x128xf32, #tpu.memory_space<vmem_shared>>
        tpu.enqueue_indirect_dma source(%arg6 : memref<128x128xf32, #tpu.memory_space<vmem>>) target(%dma_start3A_16 : memref<10240x128xf32, #tpu.memory_space<vmem_shared>>) offsets(%dma_start3A_13 : memref<128xi32, #tpu.memory_space<vmem>>) semaphore(%run_scoped3A : memref<!tpu.dma_semaphore, #tpu.memory_space<semaphore_mem>>) {add = true}
        %dma_wait3A = arith.constant 0 : i32
        %dma_wait3A_17 = tpu.memref_slice %arg7[%scan3A_11, %dma_wait3A] : memref<40x128xi32, #tpu.memory_space<vmem>> -> memref<1x128xi32, #tpu.memory_space<vmem>>
        %dma_wait3A_18 = tpu.memref_squeeze %dma_wait3A_17 : memref<1x128xi32, #tpu.memory_space<vmem>> -> memref<128xi32, #tpu.memory_space<vmem>>
        %dma_wait3A_19 = arith.constant 0 : i32
        %dma_wait3A_20 = arith.constant 0 : i32
        %dma_wait3A_21 = tpu.memref_slice %arg8[%dma_wait3A_19, %dma_wait3A_20] : memref<10240x128xf32, #tpu.memory_space<vmem_shared>> -> memref<10240x128xf32, #tpu.memory_space<vmem_shared>>
        tpu.wait_indirect_dma semaphore(%run_scoped3A : memref<!tpu.dma_semaphore, #tpu.memory_space<semaphore_mem>>) src(%arg6 : memref<128x128xf32, #tpu.memory_space<vmem>>) dst(%dma_wait3A_21 : memref<10240x128xf32, #tpu.memory_space<vmem_shared>>)
        tpu.yield
      }) : () -> ()
    }
    %scan3A_9 = arith.constant 40 : i32
    %barrier3A_10 = arith.constant 0 : index
    tpu.barrier barrier_id(%barrier3A_10)
    "tpu.region"() ({
      %run_scoped3A = tpu.sem_alloc : memref<!tpu.dma_semaphore, #tpu.memory_space<semaphore_mem>>
      %dma_start3A = arith.constant 0 : i32
      %dma_start3A_11 = tpu.memref_slice %arg5[%arg0, %mul3A_0, %dma_start3A] : memref<2x10240x128xf32, #tpu.memory_space<hbm>> -> memref<1x640x128xf32, #tpu.memory_space<hbm>>
      %dma_start3A_12 = tpu.memref_squeeze %dma_start3A_11 : memref<1x640x128xf32, #tpu.memory_space<hbm>> -> memref<640x128xf32, #tpu.memory_space<hbm>>
      %dma_start3A_13 = arith.constant 0 : i32
      %dma_start3A_14 = tpu.memref_slice %arg8[%mul3A_0, %dma_start3A_13] : memref<10240x128xf32, #tpu.memory_space<vmem_shared>> -> memref<640x128xf32, #tpu.memory_space<vmem_shared>>
      tpu.enqueue_dma source(%dma_start3A_14 : memref<640x128xf32, #tpu.memory_space<vmem_shared>>) target(%dma_start3A_12 : memref<640x128xf32, #tpu.memory_space<hbm>>) target_semaphore(%run_scoped3A : memref<!tpu.dma_semaphore, #tpu.memory_space<semaphore_mem>>)
      %dma_wait3A = arith.constant 0 : i32
      %dma_wait3A_15 = tpu.memref_slice %arg5[%arg0, %mul3A_0, %dma_wait3A] : memref<2x10240x128xf32, #tpu.memory_space<hbm>> -> memref<1x640x128xf32, #tpu.memory_space<hbm>>
      %dma_wait3A_16 = tpu.memref_squeeze %dma_wait3A_15 : memref<1x640x128xf32, #tpu.memory_space<hbm>> -> memref<640x128xf32, #tpu.memory_space<hbm>>
      %dma_wait3A_17 = arith.constant 0 : i32
      %dma_wait3A_18 = tpu.memref_slice %arg8[%mul3A_0, %dma_wait3A_17] : memref<10240x128xf32, #tpu.memory_space<vmem_shared>> -> memref<640x128xf32, #tpu.memory_space<vmem_shared>>
      tpu.wait_dma2 semaphore(%run_scoped3A : memref<!tpu.dma_semaphore, #tpu.memory_space<semaphore_mem>>) src(%dma_wait3A_18 : memref<640x128xf32, #tpu.memory_space<vmem_shared>>) dst(%dma_wait3A_16 : memref<640x128xf32, #tpu.memory_space<hbm>>)
      tpu.yield
    }) : () -> ()
    return
  }
}

#map = affine_map<(d0, d1) -> (0, 0)>
#map1 = affine_map<(d0, d1) -> (0, 0, 0)>
module attributes {stable_mosaic.version = 14 : i64} {
  func.func @_scatter_body(%arg0: i32, %arg1: i32, %arg2: memref<1280x128xi32, #tpu.memory_space<hbm>>, %arg3: memref<1280x128xi32, #tpu.memory_space<hbm>>, %arg4: memref<10240x128xf32, #tpu.memory_space<hbm>>, %arg5: memref<10240x128xf32, #tpu.memory_space<hbm>>, %arg6: memref<2x10240x128xf32, #tpu.memory_space<hbm>>, %arg7: memref<40x128xi32, #tpu.memory_space<vmem>>, %arg8: memref<40x128xi32, #tpu.memory_space<vmem>>, %arg9: memref<128x128xf32, #tpu.memory_space<vmem>>, %arg10: memref<128x128xf32, #tpu.memory_space<vmem>>, %arg11: memref<10240x128xf32, #tpu.memory_space<vmem_shared>>, %arg12: memref<!tpu.dma_semaphore, #tpu.memory_space<semaphore_mem>>, %arg13: memref<!tpu.dma_semaphore, #tpu.memory_space<semaphore_mem>>) attributes {dimension_semantics = [#tpu.dimension_semantics<core_parallel>, #tpu.dimension_semantics<subcore_parallel>], iteration_bounds = array<i64: 2, 16>, scalar_prefetch = 0 : i64, scratch_operands = 7 : i64, tpu.core_type = #tpu.core_type<sc_vector_subcore>, window_params = [{transform_indices = #map}, {transform_indices = #map}, {transform_indices = #map}, {transform_indices = #map}, {transform_indices = #map1}]} {
    %mul3A = arith.constant 640 : i32
    %mul3A_0 = arith.muli %arg1, %mul3A : i32
    "tpu.region"() ({
      %run_scoped3A_36 = tpu.sem_alloc : memref<!tpu.dma_semaphore, #tpu.memory_space<semaphore_mem>>
      %dma_start3A_37 = arith.constant 0 : i32
      %dma_start3A_38 = tpu.memref_slice %arg11[%mul3A_0, %dma_start3A_37] : memref<10240x128xf32, #tpu.memory_space<vmem_shared>> -> memref<640x128xf32, #tpu.memory_space<vmem_shared>>
      %dma_start3A_39 = arith.constant 0 : i32
      %dma_start3A_40 = tpu.memref_slice %arg5[%mul3A_0, %dma_start3A_39] : memref<10240x128xf32, #tpu.memory_space<hbm>> -> memref<640x128xf32, #tpu.memory_space<hbm>>
      tpu.enqueue_dma source(%dma_start3A_40 : memref<640x128xf32, #tpu.memory_space<hbm>>) target(%dma_start3A_38 : memref<640x128xf32, #tpu.memory_space<vmem_shared>>) target_semaphore(%run_scoped3A_36 : memref<!tpu.dma_semaphore, #tpu.memory_space<semaphore_mem>>)
      %dma_wait3A_41 = arith.constant 0 : i32
      %dma_wait3A_42 = tpu.memref_slice %arg11[%mul3A_0, %dma_wait3A_41] : memref<10240x128xf32, #tpu.memory_space<vmem_shared>> -> memref<640x128xf32, #tpu.memory_space<vmem_shared>>
      %dma_wait3A_43 = arith.constant 0 : i32
      %dma_wait3A_44 = tpu.memref_slice %arg5[%mul3A_0, %dma_wait3A_43] : memref<10240x128xf32, #tpu.memory_space<hbm>> -> memref<640x128xf32, #tpu.memory_space<hbm>>
      tpu.wait_dma2 semaphore(%run_scoped3A_36 : memref<!tpu.dma_semaphore, #tpu.memory_space<semaphore_mem>>) src(%dma_wait3A_44 : memref<640x128xf32, #tpu.memory_space<hbm>>) dst(%dma_wait3A_42 : memref<640x128xf32, #tpu.memory_space<vmem_shared>>)
      tpu.yield
    }) : () -> ()
    %mul3A_1 = arith.constant 16 : i32
    %mul3A_2 = arith.muli %arg0, %mul3A_1 : i32
    %add3A = arith.addi %mul3A_2, %arg1 : i32
    %mul3A_3 = arith.constant 40 : i32
    %mul3A_4 = arith.muli %add3A, %mul3A_3 : i32
    "tpu.region"() ({
      %run_scoped3A_36 = tpu.sem_alloc : memref<!tpu.dma_semaphore, #tpu.memory_space<semaphore_mem>>
      %dma_start3A_37 = arith.constant 0 : i32
      %dma_start3A_38 = tpu.memref_slice %arg2[%mul3A_4, %dma_start3A_37] : memref<1280x128xi32, #tpu.memory_space<hbm>> -> memref<40x128xi32, #tpu.memory_space<hbm>>
      %dma_start3A_39 = arith.constant 0 : i32
      %dma_start3A_40 = tpu.memref_slice %arg2[%mul3A_4, %dma_start3A_39] : memref<1280x128xi32, #tpu.memory_space<hbm>> -> memref<40x128xi32, #tpu.memory_space<hbm>>
      tpu.enqueue_dma source(%dma_start3A_40 : memref<40x128xi32, #tpu.memory_space<hbm>>) target(%arg7 : memref<40x128xi32, #tpu.memory_space<vmem>>) target_semaphore(%run_scoped3A_36 : memref<!tpu.dma_semaphore, #tpu.memory_space<semaphore_mem>>)
      %dma_wait3A_41 = arith.constant 0 : i32
      %dma_wait3A_42 = tpu.memref_slice %arg2[%mul3A_4, %dma_wait3A_41] : memref<1280x128xi32, #tpu.memory_space<hbm>> -> memref<40x128xi32, #tpu.memory_space<hbm>>
      %dma_wait3A_43 = arith.constant 0 : i32
      %dma_wait3A_44 = tpu.memref_slice %arg2[%mul3A_4, %dma_wait3A_43] : memref<1280x128xi32, #tpu.memory_space<hbm>> -> memref<40x128xi32, #tpu.memory_space<hbm>>
      tpu.wait_dma2 semaphore(%run_scoped3A_36 : memref<!tpu.dma_semaphore, #tpu.memory_space<semaphore_mem>>) src(%dma_wait3A_44 : memref<40x128xi32, #tpu.memory_space<hbm>>) dst(%arg7 : memref<40x128xi32, #tpu.memory_space<vmem>>)
      tpu.yield
    }) : () -> ()
    "tpu.region"() ({
      %run_scoped3A_36 = tpu.sem_alloc : memref<!tpu.dma_semaphore, #tpu.memory_space<semaphore_mem>>
      %dma_start3A_37 = arith.constant 0 : i32
      %dma_start3A_38 = tpu.memref_slice %arg3[%mul3A_4, %dma_start3A_37] : memref<1280x128xi32, #tpu.memory_space<hbm>> -> memref<40x128xi32, #tpu.memory_space<hbm>>
      %dma_start3A_39 = arith.constant 0 : i32
      %dma_start3A_40 = tpu.memref_slice %arg3[%mul3A_4, %dma_start3A_39] : memref<1280x128xi32, #tpu.memory_space<hbm>> -> memref<40x128xi32, #tpu.memory_space<hbm>>
      tpu.enqueue_dma source(%dma_start3A_40 : memref<40x128xi32, #tpu.memory_space<hbm>>) target(%arg8 : memref<40x128xi32, #tpu.memory_space<vmem>>) target_semaphore(%run_scoped3A_36 : memref<!tpu.dma_semaphore, #tpu.memory_space<semaphore_mem>>)
      %dma_wait3A_41 = arith.constant 0 : i32
      %dma_wait3A_42 = tpu.memref_slice %arg3[%mul3A_4, %dma_wait3A_41] : memref<1280x128xi32, #tpu.memory_space<hbm>> -> memref<40x128xi32, #tpu.memory_space<hbm>>
      %dma_wait3A_43 = arith.constant 0 : i32
      %dma_wait3A_44 = tpu.memref_slice %arg3[%mul3A_4, %dma_wait3A_43] : memref<1280x128xi32, #tpu.memory_space<hbm>> -> memref<40x128xi32, #tpu.memory_space<hbm>>
      tpu.wait_dma2 semaphore(%run_scoped3A_36 : memref<!tpu.dma_semaphore, #tpu.memory_space<semaphore_mem>>) src(%dma_wait3A_44 : memref<40x128xi32, #tpu.memory_space<hbm>>) dst(%arg8 : memref<40x128xi32, #tpu.memory_space<vmem>>)
      tpu.yield
    }) : () -> ()
    %barrier3A = arith.constant 0 : index
    tpu.barrier barrier_id(%barrier3A)
    %dma_start3A = arith.constant 0 : i32
    %dma_start3A_5 = arith.constant 0 : i32
    %dma_start3A_6 = tpu.memref_slice %arg7[%dma_start3A, %dma_start3A_5] : memref<40x128xi32, #tpu.memory_space<vmem>> -> memref<1x128xi32, #tpu.memory_space<vmem>>
    %dma_start3A_7 = tpu.memref_squeeze %dma_start3A_6 : memref<1x128xi32, #tpu.memory_space<vmem>> -> memref<128xi32, #tpu.memory_space<vmem>>
    %dma_start3A_8 = arith.constant 0 : i32
    %dma_start3A_9 = arith.constant 0 : i32
    %dma_start3A_10 = tpu.memref_slice %arg4[%dma_start3A_8, %dma_start3A_9] : memref<10240x128xf32, #tpu.memory_space<hbm>> -> memref<10240x128xf32, #tpu.memory_space<hbm>>
    tpu.enqueue_indirect_dma source(%dma_start3A_10 : memref<10240x128xf32, #tpu.memory_space<hbm>>) target(%arg9 : memref<128x128xf32, #tpu.memory_space<vmem>>) offsets(%dma_start3A_7 : memref<128xi32, #tpu.memory_space<vmem>>) semaphore(%arg12 : memref<!tpu.dma_semaphore, #tpu.memory_space<semaphore_mem>>)
    %scan3A = arith.constant 0 : i32
    %scan3A_11 = arith.constant 0 : i32
    %scan3A_12 = arith.constant 19 : i32
    %scan3A_13 = arith.addi %scan3A_11, %scan3A_12 : i32
    %scan3A_14 = arith.constant 1 : i32
    scf.for %scan3A_36 = %scan3A_11 to %scan3A_13 step %scan3A_14  : i32 {
      %mul3A_37 = arith.constant 2 : i32
      %mul3A_38 = arith.muli %mul3A_37, %scan3A_36 : i32
      %dma_wait3A_39 = arith.constant 0 : i32
      %dma_wait3A_40 = arith.constant 0 : i32
      %dma_wait3A_41 = tpu.memref_slice %arg4[%dma_wait3A_39, %dma_wait3A_40] : memref<10240x128xf32, #tpu.memory_space<hbm>> -> memref<128x128xf32, #tpu.memory_space<hbm>>
      %dma_wait3A_42 = arith.constant 0 : i32
      %dma_wait3A_43 = arith.constant 0 : i32
      %dma_wait3A_44 = tpu.memref_slice %arg4[%dma_wait3A_42, %dma_wait3A_43] : memref<10240x128xf32, #tpu.memory_space<hbm>> -> memref<128x128xf32, #tpu.memory_space<hbm>>
      tpu.wait_dma2 semaphore(%arg12 : memref<!tpu.dma_semaphore, #tpu.memory_space<semaphore_mem>>) src(%dma_wait3A_44 : memref<128x128xf32, #tpu.memory_space<hbm>>) dst(%arg9 : memref<128x128xf32, #tpu.memory_space<vmem>>)
      %add3A_45 = arith.constant 1 : i32
      %add3A_46 = arith.addi %mul3A_38, %add3A_45 : i32
      %dma_start3A_47 = arith.constant 0 : i32
      %dma_start3A_48 = tpu.memref_slice %arg7[%add3A_46, %dma_start3A_47] : memref<40x128xi32, #tpu.memory_space<vmem>> -> memref<1x128xi32, #tpu.memory_space<vmem>>
      %dma_start3A_49 = tpu.memref_squeeze %dma_start3A_48 : memref<1x128xi32, #tpu.memory_space<vmem>> -> memref<128xi32, #tpu.memory_space<vmem>>
      %dma_start3A_50 = arith.constant 0 : i32
      %dma_start3A_51 = arith.constant 0 : i32
      %dma_start3A_52 = tpu.memref_slice %arg4[%dma_start3A_50, %dma_start3A_51] : memref<10240x128xf32, #tpu.memory_space<hbm>> -> memref<10240x128xf32, #tpu.memory_space<hbm>>
      tpu.enqueue_indirect_dma source(%dma_start3A_52 : memref<10240x128xf32, #tpu.memory_space<hbm>>) target(%arg10 : memref<128x128xf32, #tpu.memory_space<vmem>>) offsets(%dma_start3A_49 : memref<128xi32, #tpu.memory_space<vmem>>) semaphore(%arg13 : memref<!tpu.dma_semaphore, #tpu.memory_space<semaphore_mem>>)
      "tpu.region"() ({
        %run_scoped3A_71 = tpu.sem_alloc : memref<!tpu.dma_semaphore, #tpu.memory_space<semaphore_mem>>
        %dma_start3A_72 = arith.constant 0 : i32
        %dma_start3A_73 = tpu.memref_slice %arg8[%mul3A_38, %dma_start3A_72] : memref<40x128xi32, #tpu.memory_space<vmem>> -> memref<1x128xi32, #tpu.memory_space<vmem>>
        %dma_start3A_74 = tpu.memref_squeeze %dma_start3A_73 : memref<1x128xi32, #tpu.memory_space<vmem>> -> memref<128xi32, #tpu.memory_space<vmem>>
        %dma_start3A_75 = arith.constant 0 : i32
        %dma_start3A_76 = arith.constant 0 : i32
        %dma_start3A_77 = tpu.memref_slice %arg11[%dma_start3A_75, %dma_start3A_76] : memref<10240x128xf32, #tpu.memory_space<vmem_shared>> -> memref<10240x128xf32, #tpu.memory_space<vmem_shared>>
        tpu.enqueue_indirect_dma source(%arg9 : memref<128x128xf32, #tpu.memory_space<vmem>>) target(%dma_start3A_77 : memref<10240x128xf32, #tpu.memory_space<vmem_shared>>) offsets(%dma_start3A_74 : memref<128xi32, #tpu.memory_space<vmem>>) semaphore(%run_scoped3A_71 : memref<!tpu.dma_semaphore, #tpu.memory_space<semaphore_mem>>) {add = true}
        %dma_wait3A_78 = arith.constant 0 : i32
        %dma_wait3A_79 = tpu.memref_slice %arg8[%mul3A_38, %dma_wait3A_78] : memref<40x128xi32, #tpu.memory_space<vmem>> -> memref<1x128xi32, #tpu.memory_space<vmem>>
        %dma_wait3A_80 = tpu.memref_squeeze %dma_wait3A_79 : memref<1x128xi32, #tpu.memory_space<vmem>> -> memref<128xi32, #tpu.memory_space<vmem>>
        %dma_wait3A_81 = arith.constant 0 : i32
        %dma_wait3A_82 = arith.constant 0 : i32
        %dma_wait3A_83 = tpu.memref_slice %arg11[%dma_wait3A_81, %dma_wait3A_82] : memref<10240x128xf32, #tpu.memory_space<vmem_shared>> -> memref<10240x128xf32, #tpu.memory_space<vmem_shared>>
        tpu.wait_indirect_dma semaphore(%run_scoped3A_71 : memref<!tpu.dma_semaphore, #tpu.memory_space<semaphore_mem>>) src(%arg9 : memref<128x128xf32, #tpu.memory_space<vmem>>) dst(%dma_wait3A_83 : memref<10240x128xf32, #tpu.memory_space<vmem_shared>>)
        tpu.yield
      }) : () -> ()
      %mul3A_53 = arith.constant 2 : i32
      %mul3A_54 = arith.muli %mul3A_53, %scan3A_36 : i32
      %add3A_55 = arith.constant 1 : i32
      %add3A_56 = arith.addi %mul3A_54, %add3A_55 : i32
      %dma_wait3A_57 = arith.constant 0 : i32
      %dma_wait3A_58 = arith.constant 0 : i32
      %dma_wait3A_59 = tpu.memref_slice %arg4[%dma_wait3A_57, %dma_wait3A_58] : memref<10240x128xf32, #tpu.memory_space<hbm>> -> memref<128x128xf32, #tpu.memory_space<hbm>>
      %dma_wait3A_60 = arith.constant 0 : i32
      %dma_wait3A_61 = arith.constant 0 : i32
      %dma_wait3A_62 = tpu.memref_slice %arg4[%dma_wait3A_60, %dma_wait3A_61] : memref<10240x128xf32, #tpu.memory_space<hbm>> -> memref<128x128xf32, #tpu.memory_space<hbm>>
      tpu.wait_dma2 semaphore(%arg13 : memref<!tpu.dma_semaphore, #tpu.memory_space<semaphore_mem>>) src(%dma_wait3A_62 : memref<128x128xf32, #tpu.memory_space<hbm>>) dst(%arg10 : memref<128x128xf32, #tpu.memory_space<vmem>>)
      %add3A_63 = arith.constant 1 : i32
      %add3A_64 = arith.addi %add3A_56, %add3A_63 : i32
      %dma_start3A_65 = arith.constant 0 : i32
      %dma_start3A_66 = tpu.memref_slice %arg7[%add3A_64, %dma_start3A_65] : memref<40x128xi32, #tpu.memory_space<vmem>> -> memref<1x128xi32, #tpu.memory_space<vmem>>
      %dma_start3A_67 = tpu.memref_squeeze %dma_start3A_66 : memref<1x128xi32, #tpu.memory_space<vmem>> -> memref<128xi32, #tpu.memory_space<vmem>>
      %dma_start3A_68 = arith.constant 0 : i32
      %dma_start3A_69 = arith.constant 0 : i32
      %dma_start3A_70 = tpu.memref_slice %arg4[%dma_start3A_68, %dma_start3A_69] : memref<10240x128xf32, #tpu.memory_space<hbm>> -> memref<10240x128xf32, #tpu.memory_space<hbm>>
      tpu.enqueue_indirect_dma source(%dma_start3A_70 : memref<10240x128xf32, #tpu.memory_space<hbm>>) target(%arg9 : memref<128x128xf32, #tpu.memory_space<vmem>>) offsets(%dma_start3A_67 : memref<128xi32, #tpu.memory_space<vmem>>) semaphore(%arg12 : memref<!tpu.dma_semaphore, #tpu.memory_space<semaphore_mem>>)
      "tpu.region"() ({
        %run_scoped3A_71 = tpu.sem_alloc : memref<!tpu.dma_semaphore, #tpu.memory_space<semaphore_mem>>
        %dma_start3A_72 = arith.constant 0 : i32
        %dma_start3A_73 = tpu.memref_slice %arg8[%add3A_56, %dma_start3A_72] : memref<40x128xi32, #tpu.memory_space<vmem>> -> memref<1x128xi32, #tpu.memory_space<vmem>>
        %dma_start3A_74 = tpu.memref_squeeze %dma_start3A_73 : memref<1x128xi32, #tpu.memory_space<vmem>> -> memref<128xi32, #tpu.memory_space<vmem>>
        %dma_start3A_75 = arith.constant 0 : i32
        %dma_start3A_76 = arith.constant 0 : i32
        %dma_start3A_77 = tpu.memref_slice %arg11[%dma_start3A_75, %dma_start3A_76] : memref<10240x128xf32, #tpu.memory_space<vmem_shared>> -> memref<10240x128xf32, #tpu.memory_space<vmem_shared>>
        tpu.enqueue_indirect_dma source(%arg10 : memref<128x128xf32, #tpu.memory_space<vmem>>) target(%dma_start3A_77 : memref<10240x128xf32, #tpu.memory_space<vmem_shared>>) offsets(%dma_start3A_74 : memref<128xi32, #tpu.memory_space<vmem>>) semaphore(%run_scoped3A_71 : memref<!tpu.dma_semaphore, #tpu.memory_space<semaphore_mem>>) {add = true}
        %dma_wait3A_78 = arith.constant 0 : i32
        %dma_wait3A_79 = tpu.memref_slice %arg8[%add3A_56, %dma_wait3A_78] : memref<40x128xi32, #tpu.memory_space<vmem>> -> memref<1x128xi32, #tpu.memory_space<vmem>>
        %dma_wait3A_80 = tpu.memref_squeeze %dma_wait3A_79 : memref<1x128xi32, #tpu.memory_space<vmem>> -> memref<128xi32, #tpu.memory_space<vmem>>
        %dma_wait3A_81 = arith.constant 0 : i32
        %dma_wait3A_82 = arith.constant 0 : i32
        %dma_wait3A_83 = tpu.memref_slice %arg11[%dma_wait3A_81, %dma_wait3A_82] : memref<10240x128xf32, #tpu.memory_space<vmem_shared>> -> memref<10240x128xf32, #tpu.memory_space<vmem_shared>>
        tpu.wait_indirect_dma semaphore(%run_scoped3A_71 : memref<!tpu.dma_semaphore, #tpu.memory_space<semaphore_mem>>) src(%arg10 : memref<128x128xf32, #tpu.memory_space<vmem>>) dst(%dma_wait3A_83 : memref<10240x128xf32, #tpu.memory_space<vmem_shared>>)
        tpu.yield
      }) : () -> ()
    }
    %scan3A_15 = arith.constant 19 : i32
    %dma_wait3A = arith.constant 0 : i32
    %dma_wait3A_16 = arith.constant 0 : i32
    %dma_wait3A_17 = tpu.memref_slice %arg4[%dma_wait3A, %dma_wait3A_16] : memref<10240x128xf32, #tpu.memory_space<hbm>> -> memref<128x128xf32, #tpu.memory_space<hbm>>
    %dma_wait3A_18 = arith.constant 0 : i32
    %dma_wait3A_19 = arith.constant 0 : i32
    %dma_wait3A_20 = tpu.memref_slice %arg4[%dma_wait3A_18, %dma_wait3A_19] : memref<10240x128xf32, #tpu.memory_space<hbm>> -> memref<128x128xf32, #tpu.memory_space<hbm>>
    tpu.wait_dma2 semaphore(%arg12 : memref<!tpu.dma_semaphore, #tpu.memory_space<semaphore_mem>>) src(%dma_wait3A_20 : memref<128x128xf32, #tpu.memory_space<hbm>>) dst(%arg9 : memref<128x128xf32, #tpu.memory_space<vmem>>)
    %dma_start3A_21 = arith.constant 39 : i32
    %dma_start3A_22 = arith.constant 0 : i32
    %dma_start3A_23 = tpu.memref_slice %arg7[%dma_start3A_21, %dma_start3A_22] : memref<40x128xi32, #tpu.memory_space<vmem>> -> memref<1x128xi32, #tpu.memory_space<vmem>>
    %dma_start3A_24 = tpu.memref_squeeze %dma_start3A_23 : memref<1x128xi32, #tpu.memory_space<vmem>> -> memref<128xi32, #tpu.memory_space<vmem>>
    %dma_start3A_25 = arith.constant 0 : i32
    %dma_start3A_26 = arith.constant 0 : i32
    %dma_start3A_27 = tpu.memref_slice %arg4[%dma_start3A_25, %dma_start3A_26] : memref<10240x128xf32, #tpu.memory_space<hbm>> -> memref<10240x128xf32, #tpu.memory_space<hbm>>
    tpu.enqueue_indirect_dma source(%dma_start3A_27 : memref<10240x128xf32, #tpu.memory_space<hbm>>) target(%arg10 : memref<128x128xf32, #tpu.memory_space<vmem>>) offsets(%dma_start3A_24 : memref<128xi32, #tpu.memory_space<vmem>>) semaphore(%arg13 : memref<!tpu.dma_semaphore, #tpu.memory_space<semaphore_mem>>)
    %run_scoped3A = arith.constant 38 : i32
    "tpu.region"() ({
      %run_scoped3A_36 = tpu.sem_alloc : memref<!tpu.dma_semaphore, #tpu.memory_space<semaphore_mem>>
      %dma_start3A_37 = arith.constant 0 : i32
      %dma_start3A_38 = tpu.memref_slice %arg8[%run_scoped3A, %dma_start3A_37] : memref<40x128xi32, #tpu.memory_space<vmem>> -> memref<1x128xi32, #tpu.memory_space<vmem>>
      %dma_start3A_39 = tpu.memref_squeeze %dma_start3A_38 : memref<1x128xi32, #tpu.memory_space<vmem>> -> memref<128xi32, #tpu.memory_space<vmem>>
      %dma_start3A_40 = arith.constant 0 : i32
      %dma_start3A_41 = arith.constant 0 : i32
      %dma_start3A_42 = tpu.memref_slice %arg11[%dma_start3A_40, %dma_start3A_41] : memref<10240x128xf32, #tpu.memory_space<vmem_shared>> -> memref<10240x128xf32, #tpu.memory_space<vmem_shared>>
      tpu.enqueue_indirect_dma source(%arg9 : memref<128x128xf32, #tpu.memory_space<vmem>>) target(%dma_start3A_42 : memref<10240x128xf32, #tpu.memory_space<vmem_shared>>) offsets(%dma_start3A_39 : memref<128xi32, #tpu.memory_space<vmem>>) semaphore(%run_scoped3A_36 : memref<!tpu.dma_semaphore, #tpu.memory_space<semaphore_mem>>) {add = true}
      %dma_wait3A_43 = arith.constant 0 : i32
      %dma_wait3A_44 = tpu.memref_slice %arg8[%run_scoped3A, %dma_wait3A_43] : memref<40x128xi32, #tpu.memory_space<vmem>> -> memref<1x128xi32, #tpu.memory_space<vmem>>
      %dma_wait3A_45 = tpu.memref_squeeze %dma_wait3A_44 : memref<1x128xi32, #tpu.memory_space<vmem>> -> memref<128xi32, #tpu.memory_space<vmem>>
      %dma_wait3A_46 = arith.constant 0 : i32
      %dma_wait3A_47 = arith.constant 0 : i32
      %dma_wait3A_48 = tpu.memref_slice %arg11[%dma_wait3A_46, %dma_wait3A_47] : memref<10240x128xf32, #tpu.memory_space<vmem_shared>> -> memref<10240x128xf32, #tpu.memory_space<vmem_shared>>
      tpu.wait_indirect_dma semaphore(%run_scoped3A_36 : memref<!tpu.dma_semaphore, #tpu.memory_space<semaphore_mem>>) src(%arg9 : memref<128x128xf32, #tpu.memory_space<vmem>>) dst(%dma_wait3A_48 : memref<10240x128xf32, #tpu.memory_space<vmem_shared>>)
      tpu.yield
    }) : () -> ()
    %dma_wait3A_28 = arith.constant 0 : i32
    %dma_wait3A_29 = arith.constant 0 : i32
    %dma_wait3A_30 = tpu.memref_slice %arg4[%dma_wait3A_28, %dma_wait3A_29] : memref<10240x128xf32, #tpu.memory_space<hbm>> -> memref<128x128xf32, #tpu.memory_space<hbm>>
    %dma_wait3A_31 = arith.constant 0 : i32
    %dma_wait3A_32 = arith.constant 0 : i32
    %dma_wait3A_33 = tpu.memref_slice %arg4[%dma_wait3A_31, %dma_wait3A_32] : memref<10240x128xf32, #tpu.memory_space<hbm>> -> memref<128x128xf32, #tpu.memory_space<hbm>>
    tpu.wait_dma2 semaphore(%arg13 : memref<!tpu.dma_semaphore, #tpu.memory_space<semaphore_mem>>) src(%dma_wait3A_33 : memref<128x128xf32, #tpu.memory_space<hbm>>) dst(%arg10 : memref<128x128xf32, #tpu.memory_space<vmem>>)
    %run_scoped3A_34 = arith.constant 39 : i32
    "tpu.region"() ({
      %run_scoped3A_36 = tpu.sem_alloc : memref<!tpu.dma_semaphore, #tpu.memory_space<semaphore_mem>>
      %dma_start3A_37 = arith.constant 0 : i32
      %dma_start3A_38 = tpu.memref_slice %arg8[%run_scoped3A_34, %dma_start3A_37] : memref<40x128xi32, #tpu.memory_space<vmem>> -> memref<1x128xi32, #tpu.memory_space<vmem>>
      %dma_start3A_39 = tpu.memref_squeeze %dma_start3A_38 : memref<1x128xi32, #tpu.memory_space<vmem>> -> memref<128xi32, #tpu.memory_space<vmem>>
      %dma_start3A_40 = arith.constant 0 : i32
      %dma_start3A_41 = arith.constant 0 : i32
      %dma_start3A_42 = tpu.memref_slice %arg11[%dma_start3A_40, %dma_start3A_41] : memref<10240x128xf32, #tpu.memory_space<vmem_shared>> -> memref<10240x128xf32, #tpu.memory_space<vmem_shared>>
      tpu.enqueue_indirect_dma source(%arg10 : memref<128x128xf32, #tpu.memory_space<vmem>>) target(%dma_start3A_42 : memref<10240x128xf32, #tpu.memory_space<vmem_shared>>) offsets(%dma_start3A_39 : memref<128xi32, #tpu.memory_space<vmem>>) semaphore(%run_scoped3A_36 : memref<!tpu.dma_semaphore, #tpu.memory_space<semaphore_mem>>) {add = true}
      %dma_wait3A_43 = arith.constant 0 : i32
      %dma_wait3A_44 = tpu.memref_slice %arg8[%run_scoped3A_34, %dma_wait3A_43] : memref<40x128xi32, #tpu.memory_space<vmem>> -> memref<1x128xi32, #tpu.memory_space<vmem>>
      %dma_wait3A_45 = tpu.memref_squeeze %dma_wait3A_44 : memref<1x128xi32, #tpu.memory_space<vmem>> -> memref<128xi32, #tpu.memory_space<vmem>>
      %dma_wait3A_46 = arith.constant 0 : i32
      %dma_wait3A_47 = arith.constant 0 : i32
      %dma_wait3A_48 = tpu.memref_slice %arg11[%dma_wait3A_46, %dma_wait3A_47] : memref<10240x128xf32, #tpu.memory_space<vmem_shared>> -> memref<10240x128xf32, #tpu.memory_space<vmem_shared>>
      tpu.wait_indirect_dma semaphore(%run_scoped3A_36 : memref<!tpu.dma_semaphore, #tpu.memory_space<semaphore_mem>>) src(%arg10 : memref<128x128xf32, #tpu.memory_space<vmem>>) dst(%dma_wait3A_48 : memref<10240x128xf32, #tpu.memory_space<vmem_shared>>)
      tpu.yield
    }) : () -> ()
    %barrier3A_35 = arith.constant 0 : index
    tpu.barrier barrier_id(%barrier3A_35)
    "tpu.region"() ({
      %run_scoped3A_36 = tpu.sem_alloc : memref<!tpu.dma_semaphore, #tpu.memory_space<semaphore_mem>>
      %dma_start3A_37 = arith.constant 0 : i32
      %dma_start3A_38 = tpu.memref_slice %arg6[%arg0, %mul3A_0, %dma_start3A_37] : memref<2x10240x128xf32, #tpu.memory_space<hbm>> -> memref<1x640x128xf32, #tpu.memory_space<hbm>>
      %dma_start3A_39 = tpu.memref_squeeze %dma_start3A_38 : memref<1x640x128xf32, #tpu.memory_space<hbm>> -> memref<640x128xf32, #tpu.memory_space<hbm>>
      %dma_start3A_40 = arith.constant 0 : i32
      %dma_start3A_41 = tpu.memref_slice %arg11[%mul3A_0, %dma_start3A_40] : memref<10240x128xf32, #tpu.memory_space<vmem_shared>> -> memref<640x128xf32, #tpu.memory_space<vmem_shared>>
      tpu.enqueue_dma source(%dma_start3A_41 : memref<640x128xf32, #tpu.memory_space<vmem_shared>>) target(%dma_start3A_39 : memref<640x128xf32, #tpu.memory_space<hbm>>) target_semaphore(%run_scoped3A_36 : memref<!tpu.dma_semaphore, #tpu.memory_space<semaphore_mem>>)
      %dma_wait3A_42 = arith.constant 0 : i32
      %dma_wait3A_43 = tpu.memref_slice %arg6[%arg0, %mul3A_0, %dma_wait3A_42] : memref<2x10240x128xf32, #tpu.memory_space<hbm>> -> memref<1x640x128xf32, #tpu.memory_space<hbm>>
      %dma_wait3A_44 = tpu.memref_squeeze %dma_wait3A_43 : memref<1x640x128xf32, #tpu.memory_space<hbm>> -> memref<640x128xf32, #tpu.memory_space<hbm>>
      %dma_wait3A_45 = arith.constant 0 : i32
      %dma_wait3A_46 = tpu.memref_slice %arg11[%mul3A_0, %dma_wait3A_45] : memref<10240x128xf32, #tpu.memory_space<vmem_shared>> -> memref<640x128xf32, #tpu.memory_space<vmem_shared>>
      tpu.wait_dma2 semaphore(%run_scoped3A_36 : memref<!tpu.dma_semaphore, #tpu.memory_space<semaphore_mem>>) src(%dma_wait3A_46 : memref<640x128xf32, #tpu.memory_space<vmem_shared>>) dst(%dma_wait3A_44 : memref<640x128xf32, #tpu.memory_space<hbm>>)
      tpu.yield
    }) : () -> ()
    return
  }
}

module attributes {stable_mosaic.version = 14 : i64} {
  func.func @_xs_body(%arg0: i32, %arg1: memref<1024x128xf32, #tpu.memory_space<vmem>>, %arg2: memref<128x128xf32, #tpu.memory_space<vmem>>, %arg3: memref<2x1024x1xf32, #tpu.memory_space<vmem>>, %arg4: memref<1024x128xf32, #tpu.memory_space<vmem>>) attributes {dimension_semantics = [#tpu.dimension_semantics<arbitrary>], iteration_bounds = array<i64: 10>, scalar_prefetch = 0 : i64, scratch_operands = 0 : i64, tpu.core_type = #tpu.core_type<tc>, window_params = [{transform_indices = @transform_0, window_bounds = array<i64: 1024, 128>}, {pipeline_mode = #tpu.pipeline_mode<synchronous>, transform_indices = @transform_1, window_bounds = array<i64: 128, 128>}, {transform_indices = @transform_2, window_bounds = array<i64: 2, 1024, 1>}, {transform_indices = @transform_3, window_bounds = array<i64: 1024, 128>}]} {
    %get3A = arith.constant 0 : index
    %get3A_0 = arith.constant 0 : index
    %get3A_1 = vector.load %arg1[%get3A, %get3A_0] : memref<1024x128xf32, #tpu.memory_space<vmem>>, vector<1024x128xf32>
    %get3A_2 = arith.constant 0 : index
    %get3A_3 = arith.constant 0 : index
    %get3A_4 = vector.load %arg2[%get3A_2, %get3A_3] : memref<128x128xf32, #tpu.memory_space<vmem>>, vector<128x128xf32>
    %dot_general3A = arith.constant dense<0.000000e+00> : vector<1024x128xf32>
    %dot_general3A_5 = tpu.matmul %get3A_1, %get3A_4, %dot_general3A {dimension_numbers = #tpu.dot_dimension_numbers<[1], [0], [0], [1], [0, 0, 1, 1], [], []>, transpose_lhs_hint = false} : vector<1024x128xf32>, vector<128x128xf32>, vector<1024x128xf32> -> vector<1024x128xf32>
    %get3A_6 = arith.constant 0 : index
    %get3A_7 = arith.constant 0 : index
    %get3A_8 = arith.constant 0 : index
    %get3A_9 = vector.load %arg3[%get3A_6, %get3A_7, %get3A_8] : memref<2x1024x1xf32, #tpu.memory_space<vmem>>, vector<1x1024x1xf32>
    %get3A_10 = vector.shape_cast %get3A_9 : vector<1x1024x1xf32> to vector<1024x1xf32>
    %get3A_11 = arith.constant 1 : index
    %get3A_12 = arith.constant 0 : index
    %get3A_13 = arith.constant 0 : index
    %get3A_14 = vector.load %arg3[%get3A_11, %get3A_12, %get3A_13] : memref<2x1024x1xf32, #tpu.memory_space<vmem>>, vector<1x1024x1xf32>
    %get3A_15 = vector.shape_cast %get3A_14 : vector<1x1024x1xf32> to vector<1024x1xf32>
    %add3A = arith.addf %get3A_10, %get3A_15 : vector<1024x1xf32>
    %add3A_16 = arith.constant 1.000000e+00 : f32
    %add3A_17 = vector.broadcast %add3A_16 : f32 to vector<1024x1xf32>
    %add3A_18 = arith.addf %add3A, %add3A_17 : vector<1024x1xf32>
    %rsqrt3A = math.rsqrt %add3A_18 : vector<1024x1xf32>
    %mul3A = vector.broadcast %rsqrt3A : vector<1024x1xf32> to vector<1024x128xf32>
    %mul3A_19 = arith.mulf %dot_general3A_5, %mul3A : vector<1024x128xf32>
    %swap3A = arith.constant 0 : index
    %swap3A_20 = arith.constant 0 : index
    %swap3A_21 = vector.load %arg4[%swap3A, %swap3A_20] : memref<1024x128xf32, #tpu.memory_space<vmem>>, vector<1024x128xf32>
    tpu.vector_store %arg4[%swap3A, %swap3A_20], %mul3A_19 {strides = array<i32>} : memref<1024x128xf32, #tpu.memory_space<vmem>>, vector<1024x128xf32>,
    return
  }
  func.func @transform_0(%arg0: i32) -> (i32, i32) {
    %c0_i32 = arith.constant 0 : i32
    %c0_i32_0 = arith.constant 0 : i32
    return %arg0, %c0_i32 : i32, i32
  }
  func.func @transform_1(%arg0: i32) -> (i32, i32) {
    %c0_i32 = arith.constant 0 : i32
    %c0_i32_0 = arith.constant 0 : i32
    %c0_i32_1 = arith.constant 0 : i32
    return %c0_i32, %c0_i32_0 : i32, i32
  }
  func.func @transform_2(%arg0: i32) -> (i32, i32, i32) {
    %c0_i32 = arith.constant 0 : i32
    %c0_i32_0 = arith.constant 0 : i32
    %c0_i32_1 = arith.constant 0 : i32
    return %c0_i32, %arg0, %c0_i32_0 : i32, i32, i32
  }
  func.func @transform_3(%arg0: i32) -> (i32, i32) {
    %c0_i32 = arith.constant 0 : i32
    %c0_i32_0 = arith.constant 0 : i32
    return %arg0, %c0_i32 : i32, i32
  }
}

module attributes {stable_mosaic.version = 14 : i64} {
  func.func @_bn_body(%arg0: memref<2x10240x128xf32, #tpu.memory_space<vmem>>, %arg1: memref<10240x128xf32, #tpu.memory_space<vmem>>, %arg2: memref<2x10240x1xf32, #tpu.memory_space<vmem>>, %arg3: memref<128xf32, #tpu.memory_space<vmem>>, %arg4: memref<128xf32, #tpu.memory_space<vmem>>, %arg5: memref<128xf32, #tpu.memory_space<vmem>>, %arg6: memref<10240x128xf32, #tpu.memory_space<vmem>>) attributes {dimension_semantics = [], scalar_prefetch = 0 : i64, scratch_operands = 0 : i64, tpu.core_type = #tpu.core_type<tc>} {
    %get3A = arith.constant 0 : index
    %get3A_0 = arith.constant 0 : index
    %get3A_1 = arith.constant 0 : index
    %get3A_2 = vector.load %arg2[%get3A, %get3A_0, %get3A_1] : memref<2x10240x1xf32, #tpu.memory_space<vmem>>, vector<1x10240x1xf32>
    %get3A_3 = vector.shape_cast %get3A_2 : vector<1x10240x1xf32> to vector<10240x1xf32>
    %get3A_4 = arith.constant 1 : index
    %get3A_5 = arith.constant 0 : index
    %get3A_6 = arith.constant 0 : index
    %get3A_7 = vector.load %arg2[%get3A_4, %get3A_5, %get3A_6] : memref<2x10240x1xf32, #tpu.memory_space<vmem>>, vector<1x10240x1xf32>
    %get3A_8 = vector.shape_cast %get3A_7 : vector<1x10240x1xf32> to vector<10240x1xf32>
    %add3A = arith.addf %get3A_3, %get3A_8 : vector<10240x1xf32>
    %add3A_9 = arith.constant 1.000000e+00 : f32
    %add3A_10 = vector.broadcast %add3A_9 : f32 to vector<10240x1xf32>
    %add3A_11 = arith.addf %add3A, %add3A_10 : vector<10240x1xf32>
    %rsqrt3A = math.rsqrt %add3A_11 : vector<10240x1xf32>
    %get3A_12 = arith.constant 0 : index
    %get3A_13 = arith.constant 0 : index
    %get3A_14 = arith.constant 0 : index
    %get3A_15 = vector.load %arg0[%get3A_12, %get3A_13, %get3A_14] : memref<2x10240x128xf32, #tpu.memory_space<vmem>>, vector<1x10240x128xf32>
    %get3A_16 = vector.shape_cast %get3A_15 : vector<1x10240x128xf32> to vector<10240x128xf32>
    %get3A_17 = arith.constant 1 : index
    %get3A_18 = arith.constant 0 : index
    %get3A_19 = arith.constant 0 : index
    %get3A_20 = vector.load %arg0[%get3A_17, %get3A_18, %get3A_19] : memref<2x10240x128xf32, #tpu.memory_space<vmem>>, vector<1x10240x128xf32>
    %get3A_21 = vector.shape_cast %get3A_20 : vector<1x10240x128xf32> to vector<10240x128xf32>
    %add3A_22 = arith.addf %get3A_16, %get3A_21 : vector<10240x128xf32>
    %get3A_23 = arith.constant 0 : index
    %get3A_24 = arith.constant 0 : index
    %get3A_25 = vector.load %arg1[%get3A_23, %get3A_24] : memref<10240x128xf32, #tpu.memory_space<vmem>>, vector<10240x128xf32>
    %add3A_26 = arith.addf %add3A_22, %get3A_25 : vector<10240x128xf32>
    %mul3A = vector.broadcast %rsqrt3A : vector<10240x1xf32> to vector<10240x128xf32>
    %mul3A_27 = arith.mulf %add3A_26, %mul3A : vector<10240x128xf32>
    %get3A_28 = arith.constant 0 : index
    %get3A_29 = vector.load %arg3[%get3A_28] : memref<128xf32, #tpu.memory_space<vmem>>, vector<128xf32>
    %broadcast_in_dim3A = vector.shape_cast %get3A_29 : vector<128xf32> to vector<1x128xf32>
    %add3A_30 = vector.broadcast %broadcast_in_dim3A : vector<1x128xf32> to vector<10240x128xf32>
    %add3A_31 = arith.addf %mul3A_27, %add3A_30 : vector<10240x128xf32>
    %iota3A = tpu.iota {dimensions = array<i32: 0>} : vector<10240x1xi32>
    %lt3A = arith.constant 10000 : i32
    %lt3A_32 = vector.broadcast %lt3A : i32 to vector<10240x1xi32>
    %lt3A_33 = arith.cmpi slt, %iota3A, %lt3A_32 : vector<10240x1xi32>
    %jit3A = arith.constant 0.000000e+00 : f32
    %broadcast_in_dim3A_34 = vector.shape_cast %lt3A_33 : vector<10240x1xi1> to vector<10240x1xi1>
    %broadcast_in_dim3A_35 = vector.broadcast %broadcast_in_dim3A_34 : vector<10240x1xi1> to vector<10240x128xi1>
    %broadcast_in_dim3A_36 = vector.broadcast %jit3A : f32 to vector<10240x128xf32>
    %select_n3A = arith.select %broadcast_in_dim3A_35, %add3A_31, %broadcast_in_dim3A_36 : vector<10240x128xi1>, vector<10240x128xf32>
    %reduce_sum3A = arith.constant dense<0.000000e+00> : vector<128xf32>
    %reduce_sum3A_37 = vector.multi_reduction <add>, %select_n3A, %reduce_sum3A [0] : vector<10240x128xf32> to vector<128xf32>
    %broadcast_in_dim3A_38 = vector.shape_cast %reduce_sum3A_37 : vector<128xf32> to vector<1x128xf32>
    %mul3A_39 = arith.constant 9.99999974E-5 : f32
    %mul3A_40 = vector.broadcast %mul3A_39 : f32 to vector<1x128xf32>
    %mul3A_41 = arith.mulf %broadcast_in_dim3A_38, %mul3A_40 : vector<1x128xf32>
    %mul3A_42 = arith.mulf %select_n3A, %select_n3A : vector<10240x128xf32>
    %reduce_sum3A_43 = arith.constant dense<0.000000e+00> : vector<128xf32>
    %reduce_sum3A_44 = vector.multi_reduction <add>, %mul3A_42, %reduce_sum3A_43 [0] : vector<10240x128xf32> to vector<128xf32>
    %broadcast_in_dim3A_45 = vector.shape_cast %reduce_sum3A_44 : vector<128xf32> to vector<1x128xf32>
    %mul3A_46 = arith.constant 9.99999974E-5 : f32
    %mul3A_47 = vector.broadcast %mul3A_46 : f32 to vector<1x128xf32>
    %mul3A_48 = arith.mulf %broadcast_in_dim3A_45, %mul3A_47 : vector<1x128xf32>
    %mul3A_49 = arith.mulf %mul3A_41, %mul3A_41 : vector<1x128xf32>
    %sub3A = arith.subf %mul3A_48, %mul3A_49 : vector<1x128xf32>
    %add3A_50 = arith.constant 9.99999974E-6 : f32
    %add3A_51 = vector.broadcast %add3A_50 : f32 to vector<1x128xf32>
    %add3A_52 = arith.addf %sub3A, %add3A_51 : vector<1x128xf32>
    %rsqrt3A_53 = math.rsqrt %add3A_52 : vector<1x128xf32>
    %sub3A_54 = vector.broadcast %mul3A_41 : vector<1x128xf32> to vector<10240x128xf32>
    %sub3A_55 = arith.subf %add3A_31, %sub3A_54 : vector<10240x128xf32>
    %mul3A_56 = vector.broadcast %rsqrt3A_53 : vector<1x128xf32> to vector<10240x128xf32>
    %mul3A_57 = arith.mulf %sub3A_55, %mul3A_56 : vector<10240x128xf32>
    %get3A_58 = arith.constant 0 : index
    %get3A_59 = vector.load %arg4[%get3A_58] : memref<128xf32, #tpu.memory_space<vmem>>, vector<128xf32>
    %broadcast_in_dim3A_60 = vector.shape_cast %get3A_59 : vector<128xf32> to vector<1x128xf32>
    %mul3A_61 = vector.broadcast %broadcast_in_dim3A_60 : vector<1x128xf32> to vector<10240x128xf32>
    %mul3A_62 = arith.mulf %mul3A_57, %mul3A_61 : vector<10240x128xf32>
    %get3A_63 = arith.constant 0 : index
    %get3A_64 = vector.load %arg5[%get3A_63] : memref<128xf32, #tpu.memory_space<vmem>>, vector<128xf32>
    %broadcast_in_dim3A_65 = vector.shape_cast %get3A_64 : vector<128xf32> to vector<1x128xf32>
    %add3A_66 = vector.broadcast %broadcast_in_dim3A_65 : vector<1x128xf32> to vector<10240x128xf32>
    %add3A_67 = arith.addf %mul3A_62, %add3A_66 : vector<10240x128xf32>
    %max3A = arith.constant 0.000000e+00 : f32
    %max3A_68 = vector.broadcast %max3A : f32 to vector<10240x128xf32>
    %max3A_69 = arith.maximumf %add3A_67, %max3A_68 : vector<10240x128xf32>
    %jit3A_70 = arith.constant 0.000000e+00 : f32
    %broadcast_in_dim3A_71 = vector.shape_cast %lt3A_33 : vector<10240x1xi1> to vector<10240x1xi1>
    %broadcast_in_dim3A_72 = vector.broadcast %broadcast_in_dim3A_71 : vector<10240x1xi1> to vector<10240x128xi1>
    %broadcast_in_dim3A_73 = vector.broadcast %jit3A_70 : f32 to vector<10240x128xf32>
    %select_n3A_74 = arith.select %broadcast_in_dim3A_72, %max3A_69, %broadcast_in_dim3A_73 : vector<10240x128xi1>, vector<10240x128xf32>
    %swap3A = arith.constant 0 : index
    %swap3A_75 = arith.constant 0 : index
    %swap3A_76 = vector.load %arg6[%swap3A, %swap3A_75] : memref<10240x128xf32, #tpu.memory_space<vmem>>, vector<10240x128xf32>
    tpu.vector_store %arg6[%swap3A, %swap3A_75], %select_n3A_74 {strides = array<i32>} : memref<10240x128xf32, #tpu.memory_space<vmem>>, vector<10240x128xf32>,
    return
  }
}

module attributes {stable_mosaic.version = 14 : i64} {
  func.func @_dec_body(%arg0: i32, %arg1: memref<200x128xf32, #tpu.memory_space<vmem>>, %arg2: memref<10240x128xf32, #tpu.memory_space<vmem>>, %arg3: memref<200x10000xf32, #tpu.memory_space<vmem>>) attributes {dimension_semantics = [#tpu.dimension_semantics<arbitrary>], iteration_bounds = array<i64: 50>, scalar_prefetch = 0 : i64, scratch_operands = 0 : i64, tpu.core_type = #tpu.core_type<tc>, window_params = [{transform_indices = @transform_0, window_bounds = array<i64: 200, 128>}, {pipeline_mode = #tpu.pipeline_mode<synchronous>, transform_indices = @transform_1, window_bounds = array<i64: 10240, 128>}, {transform_indices = @transform_2, window_bounds = array<i64: 200, 10000>}]} {
    %get3A = arith.constant 0 : index
    %get3A_0 = arith.constant 0 : index
    %get3A_1 = vector.load %arg2[%get3A, %get3A_0] : memref<10240x128xf32, #tpu.memory_space<vmem>>, vector<10000x128xf32>
    %get3A_2 = arith.constant 0 : index
    %get3A_3 = arith.constant 0 : index
    %get3A_4 = vector.load %arg1[%get3A_2, %get3A_3] : memref<200x128xf32, #tpu.memory_space<vmem>>, vector<200x128xf32>
    %dot_general3A = arith.constant dense<0.000000e+00> : vector<200x10000xf32>
    %dot_general3A_5 = tpu.matmul %get3A_4, %get3A_1, %dot_general3A {dimension_numbers = #tpu.dot_dimension_numbers<[1], [1], [0], [0], [0, 0, 1, 0], [], []>, transpose_lhs_hint = false} : vector<200x128xf32>, vector<10000x128xf32>, vector<200x10000xf32> -> vector<200x10000xf32>
    %swap3A = arith.constant 0 : index
    %swap3A_6 = arith.constant 0 : index
    %swap3A_7 = vector.load %arg3[%swap3A, %swap3A_6] : memref<200x10000xf32, #tpu.memory_space<vmem>>, vector<200x10000xf32>
    tpu.vector_store %arg3[%swap3A, %swap3A_6], %dot_general3A_5 {strides = array<i32>} : memref<200x10000xf32, #tpu.memory_space<vmem>>, vector<200x10000xf32>,
    return
  }
  func.func @transform_0(%arg0: i32) -> (i32, i32) {
    %c0_i32 = arith.constant 0 : i32
    %c0_i32_0 = arith.constant 0 : i32
    return %arg0, %c0_i32 : i32, i32
  }
  func.func @transform_1(%arg0: i32) -> (i32, i32) {
    %c0_i32 = arith.constant 0 : i32
    %c0_i32_0 = arith.constant 0 : i32
    %c0_i32_1 = arith.constant 0 : i32
    return %c0_i32, %c0_i32_0 : i32, i32
  }
  func.func @transform_2(%arg0: i32) -> (i32, i32) {
    %c0_i32 = arith.constant 0 : i32
    %c0_i32_0 = arith.constant 0 : i32
    return %arg0, %c0_i32 : i32, i32
  }
}

</mosaic_0001>

<sc_bundles>
// kernel: kernel.10.cloned.1.call-start
scs
__scs_entry_jumppad:
0x0: {  	(pc) =	sbr.rel $0x88, $3  }
0x1: {  	(tag) =	ssettag $0x0;
	lr =	simm.s32 $0x1  }
0x2: {  	[smem:$0x3F9B] =	sst lr;
	_ =	strace $0xD0000000  }
0x3: {  	_ = 	snop  }
0x4: {  	_ = 	snop  }
0x5: {  	_ = 	snop  }
0x6: {  	_ = 	snop  }
0x7: {  	_ = 	snop  }
__scs_overlays_trampoline_lowered:
0x8: {  	[smem:$0x3FAA] =	sst s0  }
0x9: {  	[smem:$0x3FAB] =	sst s1  }
0xa: {  	[smem:$0x3FAC] =	sst s2  }
0xb: {  	[smem:$0x3FAD] =	sst s3  }
0xc: {  	[smem:$0x3FAE] =	sst s4  }
0xd: {  	[smem:$0x3FAF] =	sst s5  }
0xe: {  	[smem:$0x3FB0] =	sst s6  }
0xf: {  	[smem:$0x3FB1] =	sst s7  }
0x10: {  	[smem:$0x3FB2] =	sst s8  }
0x11: {  	[smem:$0x3FB3] =	sst s9;
	s0 =	simm.s32 @!p0 $0x0  }
0x12: {  	s1 =	sld [smem:$0x3F99];
	s0 =	simm.s32 @p0 $0x1  }
0x13: {  	[smem:$0x3FB4] =	sst s0;
	s0 =	simm.s32 @!p1 $0x0  }
0x14: {  	s2 =	sld [smem:$0x3F98];
	s0 =	simm.s32 @p1 $0x1  }
0x15: {  	[smem:$0x3FB5] =	sst s0;
	s0 =	simm.s32 @!p2 $0x0  }
0x16: {  	s3 =	sld [smem:$0x3FDB];
	s0 =	simm.s32 @p2 $0x1  }
0x17: {  	s4 =	simm.s32 $0x1BF5;
	[smem:$0x3FB7] =	sst s0  }
0x18: {  	s0 =	sld [smem:$0x3F9A];
	_ =	swait.ge [sflag:s4], $0x0  }
0x19: {  	s7 =	sld [smem:$0x3F9B]  }
0x1a: {  	s8 =	sadd.s32 $0xFFFFE003, lr  }
0x1b: {  	s9 =	sadd.s32 $0xFFFFFEF7, lr;
	s5 =	simm.s32 $0xFFFFFFFF;
	p2 =	slt.u32 s8, $0xFFFFF086  }
0x1c: {  	p1 =	slt.u32 s9, $0xF7A;
	s5 =	simm.s32 @!p2 $0x0  }
0x1d: {  	s5 =	simm.s32 @p1 $0x1;
	p0 =	seq.s32 s7, s2  }
0x1e: {  	s7 =	smul.u32 @!p0 $0xF7A, s2;
	p2 =	seq.s32 @!p0 s5, $0x0  }
0x1f: {  	s9 =	smul.u32 $0xF7A, s1;
	s8 =	simm.s32 @!p0 $0x1BF5;
	p2 =	por !p2, p0  }
0x20: {  	[sflag:s8] =	ssyncset.s32 @!p0 $0xFFFFF086;
	s6 =	sadd.s32 @!p0 s3, s7;
	s7 =	simm.s32 @!p0 $0x108  }
0x21: {  	s3 =	sadd.s32 s3, s9;
	s6 =	sadd.s32 @!p0 $0x88, s6;
	s7 =	simm.s32 @p2 $0x1082  }
0x22: {  	[simem:s7], [sflag:s8] =	dma.local @!p0 [hbm:s6], $0xF7A  }
0x23: {  	s9 =	sor.u32 $0xD0000000, s2;
	s6 =	simm.s32 $0x108;
	_ =	swait.ge @!p0 [sflag:s8], $0x0  }
0x24: {  	s3 =	sadd.s32 $0x88, s3;
	s6 =	simm.s32 @!p1 $0x1082;
	[sflag:s4] =	ssyncset.s32 $0xFFFFF086  }
0x25: {  	[simem:s6], [sflag:s4] =	dma.local [hbm:s3], $0xF7A  }
0x26: {  	[smem:$0x3F9B] =	sst s1;
	(tag) =	ssettag s2;
	_ =	strace s9  }
0x27: {  	s1 =	sld [smem:$0x3FAB]  }
0x28: {  	s2 =	sld [smem:$0x3FAC]  }
0x29: {  	s4 =	sld [smem:$0x3FAE]  }
0x2a: {  	p0 =	seq.s32 s5, $0x0;
	s5 =	sld [smem:$0x3FAF]  }
0x2b: {  	s6 =	sld [smem:$0x3FB0]  }
0x2c: {  	s7 =	sld [smem:$0x3FB1]  }
0x2d: {  	s3 =	simm.s32 $0x108;
	s8 =	sld [smem:$0x3FB2]  }
0x2e: {  	s3 =	simm.s32 @!p0 $0x1082;
	s9 =	sld [smem:$0x3FB3]  }
0x2f: {  	lr =	sadd.s32 s0, s3;
	s0 =	sld [smem:$0x3FAA]  }
0x30: {  	s3 =	sld [smem:$0x3FAD]  }
0x31: {  	[smem:$0x3FB6] =	sst s10  }
0x32: {  	s10 =	sld [smem:$0x3FB4];
	_ =	sdelay $0x3  }
0x33: {  	p0 =	seq.s32 s10, $0x1;
	s10 =	sld [smem:$0x3FB6];
	_ =	sdelay $0x3  }
0x34: {  	[smem:$0x3FB6] =	sst s10  }
0x35: {  	s10 =	sld [smem:$0x3FB5];
	_ =	sdelay $0x3  }
0x36: {  	p1 =	seq.s32 s10, $0x1;
	s10 =	sld [smem:$0x3FB6];
	_ =	sdelay $0x3  }
0x37: {  	[smem:$0x3FB6] =	sst s10  }
0x38: {  	s10 =	sld [smem:$0x3FB7]  }
0x39: {  	_ = 	snop;
	(pc) =	sbr.ind lr, $3  }
0x3a: {  	_ = 	snop  }
0x3b: {  	_ = 	snop  }
0x3c: {  	p2 =	seq.s32 s10, $0x1;
	s10 =	sld [smem:$0x3FB6]  }
0x3d: {  	_ =	shalt  }
0x3e: {  	_ =	shalt  }
0x3f: {  	_ =	shalt  }
0x40: {  	_ =	shalt  }
0x41: {  	_ =	shalt  }
0x42: {  	_ =	shalt  }
0x43: {  	_ =	shalt  }
0x44: {  	_ =	shalt  }
0x45: {  	_ =	shalt  }
0x46: {  	_ =	shalt  }
0x47: {  	_ =	shalt  }
0x48: {  	_ =	shalt  }
0x49: {  	_ =	shalt  }
0x4a: {  	_ =	shalt  }
0x4b: {  	_ =	shalt  }
0x4c: {  	_ =	shalt  }
0x4d: {  	_ =	shalt  }
0x4e: {  	_ =	shalt  }
0x4f: {  	_ =	shalt  }
0x50: {  	_ =	shalt  }
0x51: {  	_ =	shalt  }
0x52: {  	_ =	shalt  }
0x53: {  	_ =	shalt  }
0x54: {  	_ =	shalt  }
0x55: {  	_ =	shalt  }
0x56: {  	_ =	shalt  }
0x57: {  	_ =	shalt  }
0x58: {  	_ =	shalt  }
0x59: {  	_ =	shalt  }
0x5a: {  	_ =	shalt  }
0x5b: {  	_ =	shalt  }
0x5c: {  	_ =	shalt  }
0x5d: {  	_ =	shalt  }
0x5e: {  	_ =	shalt  }
0x5f: {  	_ =	shalt  }
0x60: {  	_ =	shalt  }
0x61: {  	_ =	shalt  }
0x62: {  	_ =	shalt  }
0x63: {  	_ =	shalt  }
0x64: {  	_ =	shalt  }
0x65: {  	_ =	shalt  }
0x66: {  	_ =	shalt  }
0x67: {  	_ =	shalt  }
0x68: {  	_ =	shalt  }
0x69: {  	_ =	shalt  }
0x6a: {  	_ =	shalt  }
0x6b: {  	_ =	shalt  }
0x6c: {  	_ =	shalt  }
0x6d: {  	_ =	shalt  }
0x6e: {  	_ =	shalt  }
0x6f: {  	_ =	shalt  }
0x70: {  	_ =	shalt  }
0x71: {  	_ =	shalt  }
0x72: {  	_ =	shalt  }
0x73: {  	_ =	shalt  }
0x74: {  	_ =	shalt  }
0x75: {  	_ =	shalt  }
0x76: {  	_ =	shalt  }
0x77: {  	_ =	shalt  }
0x78: {  	_ =	shalt  }
0x79: {  	_ =	shalt  }
0x7a: {  	_ =	shalt  }
0x7b: {  	_ =	shalt  }
0x7c: {  	_ =	shalt  }
0x7d: {  	_ =	shalt  }
0x7e: {  	_ =	shalt  }
0x7f: {  	_ =	shalt  }
0x80: {  	_ =	shalt  }
0x81: {  	_ =	shalt  }
0x82: {  	_ =	shalt  }
0x83: {  	_ =	shalt  }
0x84: {  	_ =	shalt  }
0x85: {  	_ =	shalt  }
0x86: {  	_ =	shalt  }
0x87: {  	_ =	shalt  }
.Lfunc_end0:
.L_simem_size_0:
called_computation.1_lowered:
.L_overlay_start_0:
0x88: {  	s2 =	sld [smem:$0x3FD9]  }
0x89: {  	s3 =	sld [smem:$0x3FFE];
	_ =	sdelay $0x1  }
0x8a: {  	s1 =	srdreg.scid  }
0x8b: {  	s0 =	sand.u32 $0x1, s1  }
0x8c: {  	s17 =	sshll.u32 s0, $0xA;
	s2 =	sadd.s32 s3, s2  }
0x8d: {  	s2 =	sadd.s32 s2, s17  }
0x8e: {  	[smem:$0x3FC2] =	sst s2  }
0x8f: {  	_ = 	snop  }
0x90: {  	s2 =	sld [smem:$0x3FD0];
	(tm) =	ssettm $0x1  }
0x91: {  	s18 =	sld [smem:$0x3FFB];
	_ =	sdelay $0x3  }
0x92: {  	_ =	strace s18  }
0x93: {  	s3 =	sld [smem:$0x3FFC];
	_ =	sdelay $0x3  }
0x94: {  	_ =	strace s3  }
0x95: {  	s3 =	sld [smem:$0x3FFD];
	_ =	sdelay $0x3  }
0x96: {  	_ =	strace s3  }
0x97: {  	_ =	strace $0x8FFFFFFF  }
0x98: {  	s19 =	sld [smem:$0x3FDB];
	_ =	sdelay $0x1  }
0x99: {  	s4 =	simm.s32 $_scs_section_size  }
0x9a: {  	s5 =	simm.s32 $_size__tile_overlayer_lowered;
	s6 =	simm.s32 $_tile_overlayer_lowered  }
0x9b: {  	s22 =	simm.s32 $0x1BFF;
	s21 =	sshll.u32 s6, $0x1;
	s3 =	sadd.s32 s4, s19  }
0x9c: {  	s7 =	simm.s32 $0x0;
	s20 =	sshll.u32 s5, $0x1;
	s5 =	sadd.s32 s21, s3  }
0x9d: {  	[timem:s7], [sflag:s22] =	dma.local [hbm:s5], s20  }
0x9e: {  	_ =	swait.ge [sflag:s22], s20  }
0x9f: {  	s4 =	ssub.s32 $0x0, s20;
	[sflag:s22] =	ssyncset.done $0x0  }
0xa0: {  	[sflag:s22] =	ssyncadd.s32 s4;
	_ =	sdelay $0x1  }
0xa1: {  	s23 =	simm.s32 $0x1B8B  }
0xa2: {  	_ =	swait.ge [sflag:s23], $0x1  }
0xa3: {  	[sflag:s23] =	ssyncset.done $0x0  }
0xa4: {  	s25 =	simm.s32 $0x1B8E;
	s24 =	sld [smem:$0x3FFE];
	[sflag:s23] =	ssyncadd.s32 $0xFFFFFFFF  }
0xa5: {  	s26 =	simm.s32 $execute0_lowered;
	[smem:$0x3FD2] =	sst s25  }
0xa6: {  	s5 =	sshll.u32 s26, $0x1;
	_ =	strace $0x80000049;
	[dreg:$0x1] =	wrdreg $0xFFFFFFFF  }
0xa7: {  	s28 =	simm.s32 $_size_execute0_lowered;
	s3 =	sadd.s32 s3, s5;
	[dreg:$0x0] =	wrdreg $0x0  }
0xa8: {  	s5 =	sshll.u32 s28, $0x1;
	[dreg:$0x2] =	wrdreg s3  }
0xa9: {  	[dreg:$0x3] =	wrdreg s5  }
0xaa: {  	[dreg:$0x4] =	wrdreg $0xC0  }
0xab: {  	_ =	task [dreg:s7], $0x5FFFF  }
0xac: {  	[dreg:$0x1] =	wrdreg $0xFFFFFFFF  }
0xad: {  	[dreg:$0x0] =	wrdreg $0x60  }
0xae: {  	[dreg:$0x2] =	wrdreg s24  }
0xaf: {  	[dreg:$0x3] =	wrdreg s2  }
0xb0: {  	[dreg:$0x4] =	wrdreg $0xA8000  }
0xb1: {  	[dreg:$0x5] =	wrdreg $0x9  }
0xb2: {  	_ =	task.clear_ibuf [dreg:s7], $0x6FFFF;
	_ =	strace $0x90000049  }
0xb3: {  	s29 =	simm.s32 $0x9;
	_ =	strace $0x8000004B  }
0xb4: {  	_ =	swait.ge [sflag:s29], $0x1  }
0xb5: {  	[sflag:s29] =	ssyncadd.s32 $0xFFFFFFFF  }
0xb6: {  	_ =	strace $0x9000004B  }
0xb7: {  	_ =	sfence  }
0xb8: {  	s30 =	sld [smem:$0x0];
	_ =	sdelay $0x2  }
0xb9: {  	s31 =	sshll.u32 s1, $0xD;
	s1 =	sshrl.u32 s1, $0x2  }
0xba: {  	s3 =	sand.u32 $0x4000, s31;
	s1 =	sadd.s32 s1, s30  }
0xbb: {  	s0 =	sor.u32 s3, s0;
	s1 =	sshll.u32 s1, $0x11  }
0xbc: {  	s0 =	sor.u32 s1, s0  }
0xbd: {  	s0 =	sadd.s32 $0x8F2B, s0  }
0xbe: {  	[sflag:s0] =	ssyncadd.remote.s32 $0x1  }
0xbf: {  	_ =	sfence.sel $0xFFFF  }
0xc0: {  	[dreg:$0x0] =	wrdreg $0xFFFFFFFF;
	(pc) =	sbr.abs _section_cstart, $3  }
0xc1: {  	[dreg:$0x1] =	wrdreg $0xFFFFFFFF  }
0xc2: {  	_ =	task.clear_ibuf [dreg:s7], $0x2FFFF;
	_ =	strace $0x9FFFFFFF  }
0xc3: {  	(tm) =	ssettm $0x7FFFFFFF  }
tec
execute0_lowered:
.L_overlay_start_1:
0x0: {  	(tag) =	ssettag $0x1  }
0x1: {  	s5 =	rddreg [dreg:$0x0]  }
0x2: {  	s9 =	rddreg [dreg:$0x1]  }
0x3: {  	s0 =	srdreg.scid;
	s2 =	rddreg [dreg:$0x2]  }
0x4: {  	s3 =	simm.s32 $0x0;
	s14 =	simm.s32 $0x80;
	s15 =	simm.s32 $0x2800  }
0x5: {  	s16 =	simm.s32 $0x1;
	s17 =	simm.s32 $0x6800;
	s18 =	simm.s32 $0x2  }
0x6: {  	s19 =	simm.s32 $0x1380;
	s6 =	sand.u32 $0x1, s0;
	s0 =	stileid.u32  }
0x7: {  	s20 =	simm.s32 $0x2700;
	s21 =	simm.s32 $0x2780;
	s7 =	smul.u32 $0x14000, s0  }
0x8: {  	s22 =	simm.s32 $0x0;
	[smem:$0x7FF] =	sst s3;
	s10 =	smul.u32 $0x50000, s0  }
0x9: {  	s1 =	sshll.u32 s6, $0x4;
	s12 =	ssub.s32 $0x2, s6;
	s6 =	smul.u32 $0x140000, s6  }
0xa: {  	s29 =	sshll.u32 s0, $0x6;
	s4 =	sor.u32 s0, s1;
	s1 =	rddreg [dreg:$0x3]  }
0xb: {  	_ =	strace $0x8000004A;
	s13 =	sshrl.u32 s12, $0x1;
	s4 =	smul.u32 $0x280, s4  }
0xc: {  	s11 =	sshrl.u32 s7, $0x3;
	s10 =	sshrl.u32 s10, $0x2;
	s26 =	ssub.s32 s12, s13  }
0xd: {  	s30 =	sadd.s32 s7, s6;
	s6 =	sor.u32 $0x1C03, s29;
	s12 =	simm.s32 $0x3  }
0xe: {  	s13 =	simm.s32 $0x1400;
	s28 =	sadd.s32 s10, s2;
	s31 =	sshrl.u32 s30, $0x3  }
0xf: {  	s10 =	smax.u32 s26, $0x1;
	s8 =	sadd.s32 s4, s5;
	s4 =	sadd.s32 $0x83A00, s5  }
0x10: {  	s5 =	sadd.s32 s11, s5;
	s9 =	sadd.s32 s9, s31;
	s11 =	sshrl.u32 s28, $0x3  }
0x11: {  	s5 =	sadd.s32 $0xBA00, s5;
	s7 =	sadd.s32 $0x6A00, s8;
	s8 =	sadd.s32 $0x1A00, s8  }
.LBB2_1:
0x12: {  	[spmem:s11], [sflag:s6] =	dma.local [hbm:s5], $0x2800  }
0x13: {  	_ =	swait.ge [sflag:s12], $0x2800  }
0x14: {  	[sflag:s12] =	ssyncset.done $0x0  }
0x15: {  	[sflag:s12] =	ssyncadd.s32 $0xFFFFD800  }
0x16: {  	[tilespmem:s3], [sflag:$0x3] =	stream.linear.gather [hbm4b:s7+s3], $0x1400, $0x38;
	[tilespmem:$0x1E800] =	vst v63  }
0x17: {  	_ =	swait.ge [sflag:s12], $0x1400  }
0x18: {  	[sflag:s12] =	ssyncset.done $0x0  }
0x19: {  	[sflag:s12] =	ssyncadd.s32 $0xFFFFEC00  }
0x1a: {  	[tilespmem:s13], [sflag:$0x3] =	stream.linear.gather [hbm4b:s8+s3], $0x1400, $0x38;
	[tilespmem:$0x1E800] =	vst v63  }
0x1b: {  	_ =	swait.ge [sflag:s12], $0x1400  }
0x1c: {  	[sflag:s12] =	ssyncset.done $0x0  }
0x1d: {  	[sflag:s12] =	ssyncadd.s32 $0xFFFFEC00  }
0x1e: {  	[bflag:$0x0] =	sbarrier.arrive $0xFFFF  }
0x1f: {  	[tilespmem:s15], [sflag:$0x1] =	stream.indirect.gather [hbm4b:s4+s14], $0x80, s3, s14, $0xb8;
	[tilespmem:$0x1E800] =	vst v63  }
0x20: {  	_ =	swait.ge [sflag:s16], $0x4000  }
0x21: {  	[sflag:s16] =	ssyncset.done $0x0  }
0x22: {  	s23 =	simm.s32 $0x80;
	[sflag:s16] =	ssyncadd.s32 $0xFFFFC000  }
0x23: {  	[tilespmem:s17], [sflag:$0x2] =	stream.indirect.gather [hbm4b:s4+s14], $0x80, s23, s14, $0xb8;
	[tilespmem:$0x1E800] =	vst v63  }
0x24: {  	s29 =	simm.s32 $0x1400  }
0x25: {  	[spmem:s2] =	stream.indirect.scatter.add.f32 [tilespmem:s15], [sflag:$0x3], $0x80, s29, s14, $0xb8;
	[tilespmem:$0x1E800] =	vst v63  }
0x26: {  	_ =	swait.ge [sflag:s12], $0x4000  }
0x27: {  	[sflag:s12] =	ssyncset.done $0x0  }
0x28: {  	[sflag:s12] =	ssyncadd.s32 $0xFFFFC000  }
0x29: {  	_ =	swait.ge [sflag:s18], $0x4000  }
0x2a: {  	[sflag:s18] =	ssyncset.done $0x0  }
0x2b: {  	s30 =	simm.s32 $0x100;
	[sflag:s18] =	ssyncadd.s32 $0xFFFFC000  }
0x2c: {  	[tilespmem:s15], [sflag:$0x1] =	stream.indirect.gather [hbm4b:s4+s14], $0x80, s30, s14, $0xb8;
	[tilespmem:$0x1E800] =	vst v63  }
0x2d: {  	s31 =	simm.s32 $0x1480  }
0x2e: {  	[spmem:s2] =	stream.indirect.scatter.add.f32 [tilespmem:s17], [sflag:$0x3], $0x80, s31, s14, $0xb8;
	[tilespmem:$0x1E800] =	vst v63  }
0x2f: {  	_ =	swait.ge [sflag:s12], $0x4000  }
0x30: {  	s23 =	simm.s32 $0x400;
	[sflag:s12] =	ssyncset.done $0x0  }
.LBB2_2:
0x31: {  	p0 =	sne.s32 s23, $0x4800  }
0x32: {  	[sflag:s12] =	ssyncadd.s32 $0xFFFFC000;
	s24 =	smov.u32 s23;
	s23 =	sadd.s32 $0x400, s23  }
0x33: {  	_ = 	snop  }
0x34: {  	_ =	swait.ge [sflag:s16], $0x4000  }
0x35: {  	s24 =	sshra.s32 s24, $0x2;
	[sflag:s16] =	ssyncset.done $0x0  }
0x36: {  	s25 =	sadd.s32 $0x80, s24;
	[sflag:s16] =	ssyncadd.s32 $0xFFFFC000  }
0x37: {  	[tilespmem:s17], [sflag:$0x2] =	stream.indirect.gather [hbm4b:s4+s14], $0x80, s25, s14, $0xb8;
	[tilespmem:$0x1E800] =	vst v63  }
0x38: {  	s25 =	sadd.s32 $0x1400, s24  }
0x39: {  	[spmem:s2] =	stream.indirect.scatter.add.f32 [tilespmem:s15], [sflag:$0x3], $0x80, s25, s14, $0xb8;
	[tilespmem:$0x1E800] =	vst v63  }
0x3a: {  	_ =	swait.ge [sflag:s12], $0x4000  }
0x3b: {  	[sflag:s12] =	ssyncset.done $0x0  }
0x3c: {  	[sflag:s12] =	ssyncadd.s32 $0xFFFFC000  }
0x3d: {  	_ =	swait.ge [sflag:s18], $0x4000  }
0x3e: {  	[sflag:s18] =	ssyncset.done $0x0  }
0x3f: {  	s25 =	sadd.s32 $0x100, s24;
	[sflag:s18] =	ssyncadd.s32 $0xFFFFC000  }
0x40: {  	[tilespmem:s15], [sflag:$0x1] =	stream.indirect.gather [hbm4b:s4+s14], $0x80, s25, s14, $0xb8;
	[tilespmem:$0x1E800] =	vst v63  }
.Ltmp0:
0x41: {  	_ = 	snop;
	(pc) =	sbr.rel @p0 .LBB2_2-.Ltmp0, $4  }
0x42: {  	s24 =	sadd.s32 $0x1480, s24  }
0x43: {  	[spmem:s2] =	stream.indirect.scatter.add.f32 [tilespmem:s17], [sflag:$0x3], $0x80, s24, s14, $0xb8;
	[tilespmem:$0x1E800] =	vst v63  }
0x44: {  	_ =	swait.ge [sflag:s12], $0x4000  }
0x45: {  	[sflag:s12] =	ssyncset.done $0x0  }
0x46: {  	[sflag:s12] =	ssyncadd.s32 $0xFFFFC000  }
0x47: {  	_ =	swait.ge [sflag:s16], $0x4000  }
0x48: {  	[sflag:s16] =	ssyncset.done $0x0  }
0x49: {  	[sflag:s16] =	ssyncadd.s32 $0xFFFFC000  }
0x4a: {  	[tilespmem:s17], [sflag:$0x2] =	stream.indirect.gather [hbm4b:s4+s14], $0x80, s19, s14, $0xb8;
	[tilespmem:$0x1E800] =	vst v63  }
0x4b: {  	_ = 	snop  }
0x4c: {  	[spmem:s2] =	stream.indirect.scatter.add.f32 [tilespmem:s15], [sflag:$0x3], $0x80, s20, s14, $0xb8;
	[tilespmem:$0x1E800] =	vst v63  }
0x4d: {  	_ =	swait.ge [sflag:s12], $0x4000  }
0x4e: {  	[sflag:s12] =	ssyncset.done $0x0  }
0x4f: {  	[sflag:s12] =	ssyncadd.s32 $0xFFFFC000  }
0x50: {  	_ =	swait.ge [sflag:s18], $0x4000  }
0x51: {  	[sflag:s18] =	ssyncset.done $0x0  }
0x52: {  	[sflag:s18] =	ssyncadd.s32 $0xFFFFC000  }
0x53: {  	[spmem:s2] =	stream.indirect.scatter.add.f32 [tilespmem:s17], [sflag:$0x3], $0x80, s21, s14, $0xb8;
	[tilespmem:$0x1E800] =	vst v63  }
0x54: {  	_ =	swait.ge [sflag:s12], $0x4000  }
0x55: {  	s22 =	sadd.s32 $0x1, s22;
	[sflag:s12] =	ssyncset.done $0x0  }
0x56: {  	p0 =	sne.s32 s22, s10;
	[sflag:s12] =	ssyncadd.s32 $0xFFFFC000  }
.Ltmp1:
0x57: {  	[bflag:$0x0] =	sbarrier.arrive $0xFFFF;
	(pc) =	sbr.rel @p0 .LBB2_1-.Ltmp1, $4  }
0x58: {  	[hbm:s9], [sflag:s6] =	dma.local [spmem:s11], $0x2800  }
0x59: {  	_ =	swait.ge [sflag:s12], $0x2800  }
0x5a: {  	[sflag:s12] =	ssyncset.done $0x0  }
0x5b: {  	[sflag:s12] =	ssyncadd.s32 $0xFFFFD800  }
0x5c: {  	_ =	sfence.sel $0x180000  }
0x5d: {  	[bflag:$0x0] =	sbarrier.arrive $0xFFFF  }
0x5e: {  	p0 =	sne.s32 s0, $0x0;
	_ =	strace $0x9000004A  }
0x5f: {  	s0 =	sadd.s32 @!p0 $0x100000, s1;
	[bflag:$0x2] =	sbarrier.arrive $0xFFFF  }
0x60: {  	[sflag:s0] =	ssyncadd.tile.s32 @!p0 $0x1;
	_ =	shalt  }
.Lfunc_end2:
_tile_overlayer_lowered:
.L_overlay_start_2:
0x61: {  	(tag) =	ssettag $0x2  }
0x62: {  	s0 =	rddreg [dreg:$0x0];
	s2 =	stileid.u32  }
0x63: {  	s1 =	rddreg [dreg:$0x1];
	p0 =	sne.s32 s2, $0x0  }
0x64: {  	s3 =	rddreg [dreg:$0x2];
	[bflag:$0x3] =	sbarrier.arrive $0xFFFF;
	s2 =	simm.s32 @!p0 $0x1C03  }
0x65: {  	[timem:s3], [sflag:s2] =	dma.local @!p0 [hbm:s0], s1  }
0x66: {  	s0 =	simm.s32 @!p0 $0x3  }
0x67: {  	_ =	swait.ge @!p0 [sflag:s0], s1  }
0x68: {  	s1 =	ssub.s32 @!p0 $0x0, s1;
	[sflag:s0] =	ssyncset.done @!p0 $0x0  }
0x69: {  	[sflag:s0] =	ssyncadd.s32 @!p0 s1  }
0x6a: {  	[bflag:$0x3] =	sbarrier.arrive $0xFFFF  }
0x6b: {  	_ =	shalt  }

// kernel: kernel.7.cloned.1.call-start
scs
__scs_entry_jumppad:
0x0: {  	(pc) =	sbr.rel $0x88, $3  }
0x1: {  	(tag) =	ssettag $0x0;
	lr =	simm.s32 $0x1  }
0x2: {  	[smem:$0x3F9B] =	sst lr;
	_ =	strace $0xD0000000  }
0x3: {  	_ = 	snop  }
0x4: {  	_ = 	snop  }
0x5: {  	_ = 	snop  }
0x6: {  	_ = 	snop  }
0x7: {  	_ = 	snop  }
__scs_overlays_trampoline_lowered:
0x8: {  	[smem:$0x3FAA] =	sst s0  }
0x9: {  	[smem:$0x3FAB] =	sst s1  }
0xa: {  	[smem:$0x3FAC] =	sst s2  }
0xb: {  	[smem:$0x3FAD] =	sst s3  }
0xc: {  	[smem:$0x3FAE] =	sst s4  }
0xd: {  	[smem:$0x3FAF] =	sst s5  }
0xe: {  	[smem:$0x3FB0] =	sst s6  }
0xf: {  	[smem:$0x3FB1] =	sst s7  }
0x10: {  	[smem:$0x3FB2] =	sst s8  }
0x11: {  	[smem:$0x3FB3] =	sst s9;
	s0 =	simm.s32 @!p0 $0x0  }
0x12: {  	s1 =	sld [smem:$0x3F99];
	s0 =	simm.s32 @p0 $0x1  }
0x13: {  	[smem:$0x3FB4] =	sst s0;
	s0 =	simm.s32 @!p1 $0x0  }
0x14: {  	s2 =	sld [smem:$0x3F98];
	s0 =	simm.s32 @p1 $0x1  }
0x15: {  	[smem:$0x3FB5] =	sst s0;
	s0 =	simm.s32 @!p2 $0x0  }
0x16: {  	s3 =	sld [smem:$0x3FDB];
	s0 =	simm.s32 @p2 $0x1  }
0x17: {  	s4 =	simm.s32 $0x1BF5;
	[smem:$0x3FB7] =	sst s0  }
0x18: {  	s0 =	sld [smem:$0x3F9A];
	_ =	swait.ge [sflag:s4], $0x0  }
0x19: {  	s7 =	sld [smem:$0x3F9B]  }
0x1a: {  	s8 =	sadd.s32 $0xFFFFE003, lr  }
0x1b: {  	s9 =	sadd.s32 $0xFFFFFEF7, lr;
	s5 =	simm.s32 $0xFFFFFFFF;
	p2 =	slt.u32 s8, $0xFFFFF086  }
0x1c: {  	p1 =	slt.u32 s9, $0xF7A;
	s5 =	simm.s32 @!p2 $0x0  }
0x1d: {  	s5 =	simm.s32 @p1 $0x1;
	p0 =	seq.s32 s7, s2  }
0x1e: {  	s7 =	smul.u32 @!p0 $0xF7A, s2;
	p2 =	seq.s32 @!p0 s5, $0x0  }
0x1f: {  	s9 =	smul.u32 $0xF7A, s1;
	s8 =	simm.s32 @!p0 $0x1BF5;
	p2 =	por !p2, p0  }
0x20: {  	[sflag:s8] =	ssyncset.s32 @!p0 $0xFFFFF086;
	s6 =	sadd.s32 @!p0 s3, s7;
	s7 =	simm.s32 @!p0 $0x108  }
0x21: {  	s3 =	sadd.s32 s3, s9;
	s6 =	sadd.s32 @!p0 $0x88, s6;
	s7 =	simm.s32 @p2 $0x1082  }
0x22: {  	[simem:s7], [sflag:s8] =	dma.local @!p0 [hbm:s6], $0xF7A  }
0x23: {  	s9 =	sor.u32 $0xD0000000, s2;
	s6 =	simm.s32 $0x108;
	_ =	swait.ge @!p0 [sflag:s8], $0x0  }
0x24: {  	s3 =	sadd.s32 $0x88, s3;
	s6 =	simm.s32 @!p1 $0x1082;
	[sflag:s4] =	ssyncset.s32 $0xFFFFF086  }
0x25: {  	[simem:s6], [sflag:s4] =	dma.local [hbm:s3], $0xF7A  }
0x26: {  	[smem:$0x3F9B] =	sst s1;
	(tag) =	ssettag s2;
	_ =	strace s9  }
0x27: {  	s1 =	sld [smem:$0x3FAB]  }
0x28: {  	s2 =	sld [smem:$0x3FAC]  }
0x29: {  	s4 =	sld [smem:$0x3FAE]  }
0x2a: {  	p0 =	seq.s32 s5, $0x0;
	s5 =	sld [smem:$0x3FAF]  }
0x2b: {  	s6 =	sld [smem:$0x3FB0]  }
0x2c: {  	s7 =	sld [smem:$0x3FB1]  }
0x2d: {  	s3 =	simm.s32 $0x108;
	s8 =	sld [smem:$0x3FB2]  }
0x2e: {  	s3 =	simm.s32 @!p0 $0x1082;
	s9 =	sld [smem:$0x3FB3]  }
0x2f: {  	lr =	sadd.s32 s0, s3;
	s0 =	sld [smem:$0x3FAA]  }
0x30: {  	s3 =	sld [smem:$0x3FAD]  }
0x31: {  	[smem:$0x3FB6] =	sst s10  }
0x32: {  	s10 =	sld [smem:$0x3FB4];
	_ =	sdelay $0x3  }
0x33: {  	p0 =	seq.s32 s10, $0x1;
	s10 =	sld [smem:$0x3FB6];
	_ =	sdelay $0x3  }
0x34: {  	[smem:$0x3FB6] =	sst s10  }
0x35: {  	s10 =	sld [smem:$0x3FB5];
	_ =	sdelay $0x3  }
0x36: {  	p1 =	seq.s32 s10, $0x1;
	s10 =	sld [smem:$0x3FB6];
	_ =	sdelay $0x3  }
0x37: {  	[smem:$0x3FB6] =	sst s10  }
0x38: {  	s10 =	sld [smem:$0x3FB7]  }
0x39: {  	_ = 	snop;
	(pc) =	sbr.ind lr, $3  }
0x3a: {  	_ = 	snop  }
0x3b: {  	_ = 	snop  }
0x3c: {  	p2 =	seq.s32 s10, $0x1;
	s10 =	sld [smem:$0x3FB6]  }
0x3d: {  	_ =	shalt  }
0x3e: {  	_ =	shalt  }
0x3f: {  	_ =	shalt  }
0x40: {  	_ =	shalt  }
0x41: {  	_ =	shalt  }
0x42: {  	_ =	shalt  }
0x43: {  	_ =	shalt  }
0x44: {  	_ =	shalt  }
0x45: {  	_ =	shalt  }
0x46: {  	_ =	shalt  }
0x47: {  	_ =	shalt  }
0x48: {  	_ =	shalt  }
0x49: {  	_ =	shalt  }
0x4a: {  	_ =	shalt  }
0x4b: {  	_ =	shalt  }
0x4c: {  	_ =	shalt  }
0x4d: {  	_ =	shalt  }
0x4e: {  	_ =	shalt  }
0x4f: {  	_ =	shalt  }
0x50: {  	_ =	shalt  }
0x51: {  	_ =	shalt  }
0x52: {  	_ =	shalt  }
0x53: {  	_ =	shalt  }
0x54: {  	_ =	shalt  }
0x55: {  	_ =	shalt  }
0x56: {  	_ =	shalt  }
0x57: {  	_ =	shalt  }
0x58: {  	_ =	shalt  }
0x59: {  	_ =	shalt  }
0x5a: {  	_ =	shalt  }
0x5b: {  	_ =	shalt  }
0x5c: {  	_ =	shalt  }
0x5d: {  	_ =	shalt  }
0x5e: {  	_ =	shalt  }
0x5f: {  	_ =	shalt  }
0x60: {  	_ =	shalt  }
0x61: {  	_ =	shalt  }
0x62: {  	_ =	shalt  }
0x63: {  	_ =	shalt  }
0x64: {  	_ =	shalt  }
0x65: {  	_ =	shalt  }
0x66: {  	_ =	shalt  }
0x67: {  	_ =	shalt  }
0x68: {  	_ =	shalt  }
0x69: {  	_ =	shalt  }
0x6a: {  	_ =	shalt  }
0x6b: {  	_ =	shalt  }
0x6c: {  	_ =	shalt  }
0x6d: {  	_ =	shalt  }
0x6e: {  	_ =	shalt  }
0x6f: {  	_ =	shalt  }
0x70: {  	_ =	shalt  }
0x71: {  	_ =	shalt  }
0x72: {  	_ =	shalt  }
0x73: {  	_ =	shalt  }
0x74: {  	_ =	shalt  }
0x75: {  	_ =	shalt  }
0x76: {  	_ =	shalt  }
0x77: {  	_ =	shalt  }
0x78: {  	_ =	shalt  }
0x79: {  	_ =	shalt  }
0x7a: {  	_ =	shalt  }
0x7b: {  	_ =	shalt  }
0x7c: {  	_ =	shalt  }
0x7d: {  	_ =	shalt  }
0x7e: {  	_ =	shalt  }
0x7f: {  	_ =	shalt  }
0x80: {  	_ =	shalt  }
0x81: {  	_ =	shalt  }
0x82: {  	_ =	shalt  }
0x83: {  	_ =	shalt  }
0x84: {  	_ =	shalt  }
0x85: {  	_ =	shalt  }
0x86: {  	_ =	shalt  }
0x87: {  	_ =	shalt  }
.Lfunc_end0:
.L_simem_size_0:
called_computation_lowered:
.L_overlay_start_0:
0x88: {  	s2 =	sld [smem:$0x3FD9]  }
0x89: {  	s3 =	sld [smem:$0x3FFE];
	_ =	sdelay $0x1  }
0x8a: {  	s1 =	srdreg.scid  }
0x8b: {  	s0 =	sand.u32 $0x1, s1  }
0x8c: {  	s17 =	sshll.u32 s0, $0xA;
	s2 =	sadd.s32 s3, s2  }
0x8d: {  	s2 =	sadd.s32 s2, s17  }
0x8e: {  	[smem:$0x3FC2] =	sst s2  }
0x8f: {  	_ = 	snop  }
0x90: {  	s2 =	sld [smem:$0x3FD0];
	(tm) =	ssettm $0x1  }
0x91: {  	s18 =	sld [smem:$0x3FFB];
	_ =	sdelay $0x3  }
0x92: {  	_ =	strace s18  }
0x93: {  	s3 =	sld [smem:$0x3FFC];
	_ =	sdelay $0x3  }
0x94: {  	_ =	strace s3  }
0x95: {  	s3 =	sld [smem:$0x3FFD];
	_ =	sdelay $0x3  }
0x96: {  	_ =	strace s3  }
0x97: {  	_ =	strace $0x8FFFFFFF  }
0x98: {  	s19 =	sld [smem:$0x3FDB];
	_ =	sdelay $0x1  }
0x99: {  	s4 =	simm.s32 $_scs_section_size  }
0x9a: {  	s5 =	simm.s32 $_size__tile_overlayer_lowered;
	s6 =	simm.s32 $_tile_overlayer_lowered  }
0x9b: {  	s22 =	simm.s32 $0x1BFF;
	s21 =	sshll.u32 s6, $0x1;
	s3 =	sadd.s32 s4, s19  }
0x9c: {  	s7 =	simm.s32 $0x0;
	s20 =	sshll.u32 s5, $0x1;
	s5 =	sadd.s32 s21, s3  }
0x9d: {  	[timem:s7], [sflag:s22] =	dma.local [hbm:s5], s20  }
0x9e: {  	_ =	swait.ge [sflag:s22], s20  }
0x9f: {  	s4 =	ssub.s32 $0x0, s20;
	[sflag:s22] =	ssyncset.done $0x0  }
0xa0: {  	[sflag:s22] =	ssyncadd.s32 s4;
	_ =	sdelay $0x1  }
0xa1: {  	s23 =	simm.s32 $0x1B8B  }
0xa2: {  	_ =	swait.ge [sflag:s23], $0x1  }
0xa3: {  	[sflag:s23] =	ssyncset.done $0x0  }
0xa4: {  	s25 =	simm.s32 $0x1B8E;
	s24 =	sld [smem:$0x3FFE];
	[sflag:s23] =	ssyncadd.s32 $0xFFFFFFFF  }
0xa5: {  	s26 =	simm.s32 $execute0_lowered;
	[smem:$0x3FD2] =	sst s25  }
0xa6: {  	s5 =	sshll.u32 s26, $0x1;
	_ =	strace $0x80000046;
	[dreg:$0x1] =	wrdreg $0xFFFFFFFF  }
0xa7: {  	s28 =	simm.s32 $_size_execute0_lowered;
	s3 =	sadd.s32 s3, s5;
	[dreg:$0x0] =	wrdreg $0x0  }
0xa8: {  	s5 =	sshll.u32 s28, $0x1;
	[dreg:$0x2] =	wrdreg s3  }
0xa9: {  	[dreg:$0x3] =	wrdreg s5  }
0xaa: {  	[dreg:$0x4] =	wrdreg $0xC0  }
0xab: {  	_ =	task [dreg:s7], $0x5FFFF  }
0xac: {  	[dreg:$0x1] =	wrdreg $0xFFFFFFFF  }
0xad: {  	[dreg:$0x0] =	wrdreg $0x60  }
0xae: {  	[dreg:$0x2] =	wrdreg s24  }
0xaf: {  	[dreg:$0x3] =	wrdreg s2  }
0xb0: {  	[dreg:$0x4] =	wrdreg $0x54000  }
0xb1: {  	[dreg:$0x5] =	wrdreg $0x9  }
0xb2: {  	_ =	task.clear_ibuf [dreg:s7], $0x6FFFF;
	_ =	strace $0x90000046  }
0xb3: {  	s29 =	simm.s32 $0x9;
	_ =	strace $0x80000048  }
0xb4: {  	_ =	swait.ge [sflag:s29], $0x1  }
0xb5: {  	[sflag:s29] =	ssyncadd.s32 $0xFFFFFFFF  }
0xb6: {  	_ =	strace $0x90000048  }
0xb7: {  	_ =	sfence  }
0xb8: {  	s30 =	sld [smem:$0x0];
	_ =	sdelay $0x2  }
0xb9: {  	s31 =	sshll.u32 s1, $0xD;
	s1 =	sshrl.u32 s1, $0x2  }
0xba: {  	s3 =	sand.u32 $0x4000, s31;
	s1 =	sadd.s32 s1, s30  }
0xbb: {  	s0 =	sor.u32 s3, s0;
	s1 =	sshll.u32 s1, $0x11  }
0xbc: {  	s0 =	sor.u32 s1, s0  }
0xbd: {  	s0 =	sadd.s32 $0x8F2B, s0  }
0xbe: {  	[sflag:s0] =	ssyncadd.remote.s32 $0x1  }
0xbf: {  	_ =	sfence.sel $0xFFFF  }
0xc0: {  	[dreg:$0x0] =	wrdreg $0xFFFFFFFF;
	(pc) =	sbr.abs _section_cstart, $3  }
0xc1: {  	[dreg:$0x1] =	wrdreg $0xFFFFFFFF  }
0xc2: {  	_ =	task.clear_ibuf [dreg:s7], $0x2FFFF;
	_ =	strace $0x9FFFFFFF  }
0xc3: {  	(tm) =	ssettm $0x7FFFFFFF  }
tec
execute0_lowered:
.L_overlay_start_1:
0x0: {  	(tag) =	ssettag $0x1  }
0x1: {  	s6 =	rddreg [dreg:$0x0]  }
0x2: {  	s2 =	rddreg [dreg:$0x1]  }
0x3: {  	s0 =	srdreg.scid;
	s3 =	rddreg [dreg:$0x2];
	s4 =	simm.s32 $0x0  }
0x4: {  	s13 =	simm.s32 $0x80;
	s5 =	sand.u32 $0x1, s0;
	s0 =	stileid.u32  }
0x5: {  	s14 =	simm.s32 $0x0;
	[smem:$0x7FF] =	sst s4;
	s8 =	smul.u32 $0x14000, s0  }
0x6: {  	s1 =	sshll.u32 s5, $0x4;
	s9 =	smul.u32 $0x140000, s5;
	s5 =	ssub.s32 $0x2, s5  }
0x7: {  	s29 =	smul.u32 $0x50000, s0;
	s31 =	sshll.u32 s0, $0x6;
	s1 =	sor.u32 s0, s1  }
0x8: {  	s11 =	sshrl.u32 s5, $0x1;
	s7 =	smul.u32 $0x280, s1;
	s1 =	rddreg [dreg:$0x3]  }
0x9: {  	_ =	strace $0x80000047;
	s10 =	sshrl.u32 s8, $0x3;
	s8 =	sadd.s32 s8, s9  }
0xa: {  	s11 =	ssub.s32 s5, s11;
	s30 =	sshrl.u32 s29, $0x2;
	s10 =	sadd.s32 s10, s6  }
0xb: {  	s8 =	sshrl.u32 s8, $0x3;
	s12 =	sadd.s32 s30, s3;
	s9 =	smax.u32 s11, $0x1  }
0xc: {  	s11 =	simm.s32 $0x1;
	s7 =	sadd.s32 s7, s6;
	s8 =	sadd.s32 s8, s6  }
0xd: {  	s5 =	sadd.s32 $0xBA00, s10;
	s6 =	sor.u32 $0x1C01, s31;
	s10 =	sshrl.u32 s12, $0x3  }
0xe: {  	s12 =	simm.s32 $0x4000;
	s7 =	sadd.s32 $0x1A00, s7;
	s8 =	sadd.s32 $0x33A00, s8  }
.LBB2_1:
0xf: {  	[spmem:s10], [sflag:s6] =	dma.local [hbm:s5], $0x2800  }
0x10: {  	_ =	swait.ge [sflag:s11], $0x2800  }
0x11: {  	[sflag:s11] =	ssyncset.done $0x0  }
0x12: {  	[sflag:s11] =	ssyncadd.s32 $0xFFFFD800  }
0x13: {  	[tilespmem:s4], [sflag:$0x1] =	stream.linear.gather [hbm4b:s2+s4], $0x4000, $0x38;
	[tilespmem:$0x19400] =	vst v63  }
0x14: {  	_ =	swait.ge [sflag:s11], $0x4000  }
0x15: {  	[sflag:s11] =	ssyncset.done $0x0  }
0x16: {  	[sflag:s11] =	ssyncadd.s32 $0xFFFFC000  }
0x17: {  	[tilespmem:s12], [sflag:$0x1] =	stream.linear.gather [hbm4b:s7+s4], $0x1400, $0x38;
	[tilespmem:$0x19400] =	vst v63  }
0x18: {  	_ =	swait.ge [sflag:s11], $0x1400  }
0x19: {  	[sflag:s11] =	ssyncset.done $0x0  }
0x1a: {  	[sflag:s11] =	ssyncadd.s32 $0xFFFFEC00  }
0x1b: {  	s15 =	simm.s32 $0x4000;
	[bflag:$0x0] =	sbarrier.arrive $0xFFFF  }
0x1c: {  	[spmem:s3] =	stream.indirect.scatter.add.f32 [tilespmem:s4], [sflag:$0x1], $0x80, s15, s13, $0xb8;
	[tilespmem:$0x19400] =	vst v63  }
0x1d: {  	s15 =	simm.s32 $0x200;
	_ =	swait.ge [sflag:s11], $0x4000  }
.LBB2_2:
0x1e: {  	s16 =	sshra.s32 s15, $0x2;
	[sflag:s11] =	ssyncset.done $0x0;
	p0 =	sne.s32 s15, $0x4E00  }
.Ltmp0:
0x1f: {  	s16 =	sadd.s32 $0x4000, s16;
	[sflag:s11] =	ssyncadd.s32 $0xFFFFC000;
	(pc) =	sbr.rel @p0 .LBB2_2-.Ltmp0, $3  }
0x20: {  	[spmem:s3] =	stream.indirect.scatter.add.f32 [tilespmem:s4], [sflag:$0x1], $0x80, s16, s13, $0xb8;
	[tilespmem:$0x19400] =	vst v63  }
0x21: {  	s15 =	sadd.s32 $0x200, s15;
	_ =	sdelay $0x1  }
0x22: {  	_ =	swait.ge [sflag:s11], $0x4000  }
0x23: {  	[sflag:s11] =	ssyncset.done $0x0;
	s14 =	sadd.s32 $0x1, s14  }
0x24: {  	[sflag:s11] =	ssyncadd.s32 $0xFFFFC000;
	p0 =	sne.s32 s14, s9  }
.Ltmp1:
0x25: {  	[bflag:$0x0] =	sbarrier.arrive $0xFFFF;
	(pc) =	sbr.rel @p0 .LBB2_1-.Ltmp1, $4  }
0x26: {  	[hbm:s8], [sflag:s6] =	dma.local [spmem:s10], $0x2800  }
0x27: {  	_ =	swait.ge [sflag:s11], $0x2800  }
0x28: {  	[sflag:s11] =	ssyncset.done $0x0  }
0x29: {  	[sflag:s11] =	ssyncadd.s32 $0xFFFFD800  }
0x2a: {  	_ =	sfence.sel $0x180000  }
0x2b: {  	[bflag:$0x0] =	sbarrier.arrive $0xFFFF  }
0x2c: {  	p0 =	sne.s32 s0, $0x0;
	_ =	strace $0x90000047  }
0x2d: {  	s0 =	sadd.s32 @!p0 $0x100000, s1;
	[bflag:$0x2] =	sbarrier.arrive $0xFFFF  }
0x2e: {  	[sflag:s0] =	ssyncadd.tile.s32 @!p0 $0x1;
	_ =	shalt  }
.Lfunc_end2:
_tile_overlayer_lowered:
.L_overlay_start_2:
0x2f: {  	(tag) =	ssettag $0x2  }
0x30: {  	s0 =	rddreg [dreg:$0x0];
	s2 =	stileid.u32  }
0x31: {  	s1 =	rddreg [dreg:$0x1];
	p0 =	sne.s32 s2, $0x0  }
0x32: {  	s3 =	rddreg [dreg:$0x2];
	[bflag:$0x3] =	sbarrier.arrive $0xFFFF;
	s2 =	simm.s32 @!p0 $0x1C01  }
0x33: {  	[timem:s3], [sflag:s2] =	dma.local @!p0 [hbm:s0], s1  }
0x34: {  	s0 =	simm.s32 @!p0 $0x1  }
0x35: {  	_ =	swait.ge @!p0 [sflag:s0], s1  }
0x36: {  	s1 =	ssub.s32 @!p0 $0x0, s1;
	[sflag:s0] =	ssyncset.done @!p0 $0x0  }
0x37: {  	[sflag:s0] =	ssyncadd.s32 @!p0 s1  }
0x38: {  	[bflag:$0x3] =	sbarrier.arrive $0xFFFF  }
0x39: {  	_ =	shalt  }

</sc_bundles>
